<compile_context>
chip_gen: v7x
topology: tpu7x:2x2x1
jax: 0.10.2.dev20260603
libtpu: 0.0.44.dev20260713+nightly
codegen_flags: <defaults>
</compile_context>

<pallas_src>
import functools

import jax
import jax.numpy as jnp
from jax import lax
from jax.experimental import pallas as pl
from jax.experimental.pallas import tpu as pltpu
from jax.experimental.pallas import tpu_sc as plsc

_B = 16384
_PAD = 50
_D = 64
_V = 60
_NC, _NS = 2, 16
_NW = _NC * _NS
_PER_W = _B // _NW
_GB = 8
_NGROUP = _PER_W // _GB
_T = _NGROUP // 2


def _make_emb():
    mesh = plsc.VectorSubcoreMesh(core_axis_name="c", subcore_axis_name="s")

    @functools.partial(
        pl.kernel,
        mesh=mesh,
        out_type=jax.ShapeDtypeStruct((_B, _PAD, _D), jnp.float32),
        scratch_types=[
            pltpu.VMEM_SHARED((_V, _D), jnp.float32),
            pltpu.VMEM((2, _GB, _PAD), jnp.int32),
            pltpu.VMEM((2, _GB, _PAD, _D), jnp.float32),
            pltpu.SemaphoreType.DMA,
            pltpu.SemaphoreType.DMA,
            pltpu.SemaphoreType.DMA,
            pltpu.SemaphoreType.DMA,
            pltpu.SemaphoreType.DMA,
            pltpu.SemaphoreType.DMA,
        ],
        compiler_params=pltpu.CompilerParams(use_tc_tiling_on_sc=False),
    )
    def emb(idx_hbm, table_hbm, out_hbm, table_v, idx_v, rows_v,
            isem0, isem1, gsem0, gsem1, osem0, osem1):
        wid = lax.axis_index("s") * _NC + lax.axis_index("c")
        base = wid * _PER_W
        isems = (isem0, isem1)
        gsems = (gsem0, gsem1)
        osems = (osem0, osem1)

        def idx_cp(g, b):
            return pltpu.make_async_copy(
                idx_hbm.at[pl.ds(base + g * _GB, _GB)], idx_v.at[b], isems[b])

        def gather_cp(b, j):
            return pltpu.make_async_copy(
                table_v.at[idx_v.at[b, j]], rows_v.at[b, j], gsems[b])

        def out_cp(g, b):
            return pltpu.make_async_copy(
                rows_v.at[b], out_hbm.at[pl.ds(base + g * _GB, _GB)], osems[b])

        @pl.when(lax.axis_index("s") == 0)
        def _():
            pltpu.sync_copy(table_hbm, table_v)
        plsc.subcore_barrier()

        idx_cp(0, 0).start()
        idx_cp(1, 1).start()

        def body(t, carry):
            for b in range(2):
                g = 2 * t + b
                idx_cp(g, b).wait()

                @pl.when(t >= 1)
                def _():
                    out_cp(g - 2, b).wait()

                for j in range(_GB):
                    gather_cp(b, j).start()
                for j in range(_GB):
                    gather_cp(b, j).wait()

                out_cp(g, b).start()

                @pl.when(t < _T - 1)
                def _():
                    idx_cp(g + 2, b).start()
            return carry

        lax.fori_loop(0, _T, body, 0)

        out_cp(_NGROUP - 2, 0).wait()
        out_cp(_NGROUP - 1, 1).wait()

    return emb


_emb = _make_emb()


@jax.jit
def kernel(indices, emb_weight):
    return _emb(indices, emb_weight)

# --- scband reference (transcript-rebuilt; emitter-appended) ---
"""Pipeline reference for scband-character-encoder-22084721836628 (READ-ONLY COPY).

The authoritative reference and input builder live on the scoring server;
editing this copy changes nothing except your own understanding.
"""

import jax, jax.numpy as jnp
import numpy as np

VOCAB = 60  # len(string.ascii_letters + " .,;'-") + 2
PAD = 50
B = 16384
D = 64

def setup_inputs(seed: int = 0) -> dict:
    key = jax.random.key(seed)
    k1, k2 = jax.random.split(key)
    indices = jax.random.randint(k1, (B, PAD), 0, VOCAB, dtype=jnp.int64 if jax.config.jax_enable_x64 else jnp.int32).astype(jnp.int32)
    emb_weight = jax.random.normal(k2, (VOCAB, D), dtype=jnp.float32)
    return {"indices": indices, "emb_weight": emb_weight}

def reference(indices, emb_weight):
    # CharacterEncoder.forward: embedding lookup on pre-encoded character indices
    # (string->index encoding is host-side preprocessing; the tensor op is emb(indices))
    return jnp.take(emb_weight, indices, axis=0)

if __name__ == "__main__":
    import jax
    _d = setup_inputs()
    print(jax.jit(kernel)(*tuple(_d.values())))

</pallas_src>

<mosaic_0001>
#map = affine_map<(d0, d1) -> (0, 0)>
#map1 = affine_map<(d0, d1) -> (0, 0, 0)>
module attributes {stable_mosaic.version = 14 : i64} {
  func.func @emb(%arg0: i32, %arg1: i32, %arg2: memref<16384x50xi32, #tpu.memory_space<hbm>>, %arg3: memref<60x64xf32, #tpu.memory_space<hbm>>, %arg4: memref<16384x50x64xf32, #tpu.memory_space<hbm>>, %arg5: memref<60x64xf32, #tpu.memory_space<vmem_shared>>, %arg6: memref<2x8x50xi32, #tpu.memory_space<vmem>>, %arg7: memref<2x8x50x64xf32, #tpu.memory_space<vmem>>, %arg8: memref<!tpu.dma_semaphore, #tpu.memory_space<semaphore_mem>>, %arg9: memref<!tpu.dma_semaphore, #tpu.memory_space<semaphore_mem>>, %arg10: memref<!tpu.dma_semaphore, #tpu.memory_space<semaphore_mem>>, %arg11: memref<!tpu.dma_semaphore, #tpu.memory_space<semaphore_mem>>, %arg12: memref<!tpu.dma_semaphore, #tpu.memory_space<semaphore_mem>>, %arg13: memref<!tpu.dma_semaphore, #tpu.memory_space<semaphore_mem>>) attributes {dimension_semantics = [#tpu.dimension_semantics<core_parallel>, #tpu.dimension_semantics<subcore_parallel>], iteration_bounds = array<i64: 2, 16>, scalar_prefetch = 0 : i64, scratch_operands = 9 : i64, tpu.core_type = #tpu.core_type<sc_vector_subcore>, window_params = [{transform_indices = #map}, {transform_indices = #map}, {transform_indices = #map1}]} {
    %mul3A = arith.constant 2 : i32
    %mul3A_0 = arith.muli %arg1, %mul3A : i32
    %add3A = arith.addi %mul3A_0, %arg0 : i32
    %mul3A_1 = arith.constant 512 : i32
    %mul3A_2 = arith.muli %add3A, %mul3A_1 : i32
    %eq3A = arith.constant 0 : i32
    %eq3A_3 = arith.cmpi eq, %arg1, %eq3A : i32
    %convert_element_type3A = arith.extui %eq3A_3 : i1 to i32
    %cond3A = arith.constant 0 : i32
    %cond3A_4 = arith.cmpi ne, %convert_element_type3A, %cond3A : i32
    scf.if %cond3A_4 {
      "tpu.region"() ({
        %run_scoped3A = tpu.sem_alloc : memref<!tpu.dma_semaphore, #tpu.memory_space<semaphore_mem>>
        tpu.enqueue_dma source(%arg3 : memref<60x64xf32, #tpu.memory_space<hbm>>) target(%arg5 : memref<60x64xf32, #tpu.memory_space<vmem_shared>>) target_semaphore(%run_scoped3A : memref<!tpu.dma_semaphore, #tpu.memory_space<semaphore_mem>>)
        tpu.wait_dma2 semaphore(%run_scoped3A : memref<!tpu.dma_semaphore, #tpu.memory_space<semaphore_mem>>) src(%arg3 : memref<60x64xf32, #tpu.memory_space<hbm>>) dst(%arg5 : memref<60x64xf32, #tpu.memory_space<vmem_shared>>)
        tpu.yield
      }) : () -> ()
    } else {
    }
    %barrier3A = arith.constant 0 : index
    tpu.barrier barrier_id(%barrier3A)
    %add3A_5 = arith.constant 0 : i32
    %add3A_6 = arith.addi %mul3A_2, %add3A_5 : i32
    %dma_start3A = arith.constant 0 : i32
    %dma_start3A_7 = arith.constant 0 : i32
    %dma_start3A_8 = arith.constant 0 : i32
    %dma_start3A_9 = tpu.memref_slice %arg6[%dma_start3A, %dma_start3A_7, %dma_start3A_8] : memref<2x8x50xi32, #tpu.memory_space<vmem>> -> memref<1x8x50xi32, #tpu.memory_space<vmem>>
    %dma_start3A_10 = tpu.memref_squeeze %dma_start3A_9 : memref<1x8x50xi32, #tpu.memory_space<vmem>> -> memref<8x50xi32, #tpu.memory_space<vmem>>
    %dma_start3A_11 = arith.constant 0 : i32
    %dma_start3A_12 = tpu.memref_slice %arg2[%add3A_6, %dma_start3A_11] : memref<16384x50xi32, #tpu.memory_space<hbm>> -> memref<8x50xi32, #tpu.memory_space<hbm>>
    %dma_start3A_13 = arith.constant 0 : i32
    %dma_start3A_14 = arith.constant 0 : i32
    %dma_start3A_15 = tpu.memref_slice %arg6[%dma_start3A, %dma_start3A_13, %dma_start3A_14] : memref<2x8x50xi32, #tpu.memory_space<vmem>> -> memref<1x8x50xi32, #tpu.memory_space<vmem>>
    %dma_start3A_16 = tpu.memref_squeeze %dma_start3A_15 : memref<1x8x50xi32, #tpu.memory_space<vmem>> -> memref<8x50xi32, #tpu.memory_space<vmem>>
    %dma_start3A_17 = arith.constant 0 : i32
    %dma_start3A_18 = tpu.memref_slice %arg2[%add3A_6, %dma_start3A_17] : memref<16384x50xi32, #tpu.memory_space<hbm>> -> memref<8x50xi32, #tpu.memory_space<hbm>>
    tpu.enqueue_dma source(%dma_start3A_18 : memref<8x50xi32, #tpu.memory_space<hbm>>) target(%dma_start3A_16 : memref<8x50xi32, #tpu.memory_space<vmem>>) target_semaphore(%arg8 : memref<!tpu.dma_semaphore, #tpu.memory_space<semaphore_mem>>)
    %add3A_19 = arith.constant 8 : i32
    %add3A_20 = arith.addi %mul3A_2, %add3A_19 : i32
    %dma_start3A_21 = arith.constant 1 : i32
    %dma_start3A_22 = arith.constant 0 : i32
    %dma_start3A_23 = arith.constant 0 : i32
    %dma_start3A_24 = tpu.memref_slice %arg6[%dma_start3A_21, %dma_start3A_22, %dma_start3A_23] : memref<2x8x50xi32, #tpu.memory_space<vmem>> -> memref<1x8x50xi32, #tpu.memory_space<vmem>>
    %dma_start3A_25 = tpu.memref_squeeze %dma_start3A_24 : memref<1x8x50xi32, #tpu.memory_space<vmem>> -> memref<8x50xi32, #tpu.memory_space<vmem>>
    %dma_start3A_26 = arith.constant 0 : i32
    %dma_start3A_27 = tpu.memref_slice %arg2[%add3A_20, %dma_start3A_26] : memref<16384x50xi32, #tpu.memory_space<hbm>> -> memref<8x50xi32, #tpu.memory_space<hbm>>
    %dma_start3A_28 = arith.constant 0 : i32
    %dma_start3A_29 = arith.constant 0 : i32
    %dma_start3A_30 = tpu.memref_slice %arg6[%dma_start3A_21, %dma_start3A_28, %dma_start3A_29] : memref<2x8x50xi32, #tpu.memory_space<vmem>> -> memref<1x8x50xi32, #tpu.memory_space<vmem>>
    %dma_start3A_31 = tpu.memref_squeeze %dma_start3A_30 : memref<1x8x50xi32, #tpu.memory_space<vmem>> -> memref<8x50xi32, #tpu.memory_space<vmem>>
    %dma_start3A_32 = arith.constant 0 : i32
    %dma_start3A_33 = tpu.memref_slice %arg2[%add3A_20, %dma_start3A_32] : memref<16384x50xi32, #tpu.memory_space<hbm>> -> memref<8x50xi32, #tpu.memory_space<hbm>>
    tpu.enqueue_dma source(%dma_start3A_33 : memref<8x50xi32, #tpu.memory_space<hbm>>) target(%dma_start3A_31 : memref<8x50xi32, #tpu.memory_space<vmem>>) target_semaphore(%arg9 : memref<!tpu.dma_semaphore, #tpu.memory_space<semaphore_mem>>)
    %scan3A = arith.constant 0 : i32
    %scan3A_34 = arith.constant 0 : i32
    %scan3A_35 = arith.constant 32 : i32
    %scan3A_36 = arith.addi %scan3A_34, %scan3A_35 : i32
    %scan3A_37 = arith.constant 1 : i32
    scf.for %scan3A_76 = %scan3A_34 to %scan3A_36 step %scan3A_37  : i32 {
      %mul3A_77 = arith.constant 2 : i32
      %mul3A_78 = arith.muli %mul3A_77, %scan3A_76 : i32
      %add3A_79 = arith.constant 0 : i32
      %add3A_80 = arith.addi %mul3A_78, %add3A_79 : i32
      %mul3A_81 = arith.constant 8 : i32
      %mul3A_82 = arith.muli %add3A_80, %mul3A_81 : i32
      %add3A_83 = arith.addi %mul3A_2, %mul3A_82 : i32
      %dma_wait3A_84 = arith.constant 0 : i32
      %dma_wait3A_85 = arith.constant 0 : i32
      %dma_wait3A_86 = arith.constant 0 : i32
      %dma_wait3A_87 = tpu.memref_slice %arg6[%dma_wait3A_84, %dma_wait3A_85, %dma_wait3A_86] : memref<2x8x50xi32, #tpu.memory_space<vmem>> -> memref<1x8x50xi32, #tpu.memory_space<vmem>>
      %dma_wait3A_88 = tpu.memref_squeeze %dma_wait3A_87 : memref<1x8x50xi32, #tpu.memory_space<vmem>> -> memref<8x50xi32, #tpu.memory_space<vmem>>
      %dma_wait3A_89 = arith.constant 0 : i32
      %dma_wait3A_90 = tpu.memref_slice %arg2[%add3A_83, %dma_wait3A_89] : memref<16384x50xi32, #tpu.memory_space<hbm>> -> memref<8x50xi32, #tpu.memory_space<hbm>>
      %dma_wait3A_91 = arith.constant 0 : i32
      %dma_wait3A_92 = arith.constant 0 : i32
      %dma_wait3A_93 = tpu.memref_slice %arg6[%dma_wait3A_84, %dma_wait3A_91, %dma_wait3A_92] : memref<2x8x50xi32, #tpu.memory_space<vmem>> -> memref<1x8x50xi32, #tpu.memory_space<vmem>>
      %dma_wait3A_94 = tpu.memref_squeeze %dma_wait3A_93 : memref<1x8x50xi32, #tpu.memory_space<vmem>> -> memref<8x50xi32, #tpu.memory_space<vmem>>
      %dma_wait3A_95 = arith.constant 0 : i32
      %dma_wait3A_96 = tpu.memref_slice %arg2[%add3A_83, %dma_wait3A_95] : memref<16384x50xi32, #tpu.memory_space<hbm>> -> memref<8x50xi32, #tpu.memory_space<hbm>>
      tpu.wait_dma2 semaphore(%arg8 : memref<!tpu.dma_semaphore, #tpu.memory_space<semaphore_mem>>) src(%dma_wait3A_96 : memref<8x50xi32, #tpu.memory_space<hbm>>) dst(%dma_wait3A_94 : memref<8x50xi32, #tpu.memory_space<vmem>>)
      %ge3A = arith.constant 1 : i32
      %ge3A_97 = arith.cmpi sge, %scan3A_76, %ge3A : i32
      %convert_element_type3A_98 = arith.extui %ge3A_97 : i1 to i32
      %cond3A_99 = arith.constant 0 : i32
      %cond3A_100 = arith.cmpi ne, %convert_element_type3A_98, %cond3A_99 : i32
      scf.if %cond3A_100 {
        %sub3A = arith.constant 2 : i32
        %sub3A_623 = arith.subi %add3A_80, %sub3A : i32
        %mul3A_624 = arith.constant 8 : i32
        %mul3A_625 = arith.muli %sub3A_623, %mul3A_624 : i32
        %add3A_626 = arith.addi %mul3A_2, %mul3A_625 : i32
        %dma_wait3A_627 = arith.constant 0 : i32
        %dma_wait3A_628 = arith.constant 0 : i32
        %dma_wait3A_629 = arith.constant 0 : i32
        %dma_wait3A_630 = arith.constant 0 : i32
        %dma_wait3A_631 = tpu.memref_slice %arg7[%dma_wait3A_627, %dma_wait3A_628, %dma_wait3A_629, %dma_wait3A_630] : memref<2x8x50x64xf32, #tpu.memory_space<vmem>> -> memref<1x8x50x64xf32, #tpu.memory_space<vmem>>
        %dma_wait3A_632 = tpu.memref_squeeze %dma_wait3A_631 : memref<1x8x50x64xf32, #tpu.memory_space<vmem>> -> memref<8x50x64xf32, #tpu.memory_space<vmem>>
        %dma_wait3A_633 = arith.constant 0 : i32
        %dma_wait3A_634 = arith.constant 0 : i32
        %dma_wait3A_635 = tpu.memref_slice %arg4[%add3A_626, %dma_wait3A_633, %dma_wait3A_634] : memref<16384x50x64xf32, #tpu.memory_space<hbm>> -> memref<8x50x64xf32, #tpu.memory_space<hbm>>
        %dma_wait3A_636 = arith.constant 0 : i32
        %dma_wait3A_637 = arith.constant 0 : i32
        %dma_wait3A_638 = tpu.memref_slice %arg4[%add3A_626, %dma_wait3A_636, %dma_wait3A_637] : memref<16384x50x64xf32, #tpu.memory_space<hbm>> -> memref<8x50x64xf32, #tpu.memory_space<hbm>>
        %dma_wait3A_639 = arith.constant 0 : i32
        %dma_wait3A_640 = arith.constant 0 : i32
        %dma_wait3A_641 = arith.constant 0 : i32
        %dma_wait3A_642 = tpu.memref_slice %arg7[%dma_wait3A_627, %dma_wait3A_639, %dma_wait3A_640, %dma_wait3A_641] : memref<2x8x50x64xf32, #tpu.memory_space<vmem>> -> memref<1x8x50x64xf32, #tpu.memory_space<vmem>>
        %dma_wait3A_643 = tpu.memref_squeeze %dma_wait3A_642 : memref<1x8x50x64xf32, #tpu.memory_space<vmem>> -> memref<8x50x64xf32, #tpu.memory_space<vmem>>
        tpu.wait_dma2 semaphore(%arg12 : memref<!tpu.dma_semaphore, #tpu.memory_space<semaphore_mem>>) src(%dma_wait3A_643 : memref<8x50x64xf32, #tpu.memory_space<vmem>>) dst(%dma_wait3A_638 : memref<8x50x64xf32, #tpu.memory_space<hbm>>)
      } else {
      }
      %dma_start3A_101 = arith.constant 0 : i32
      %dma_start3A_102 = arith.constant 0 : i32
      %dma_start3A_103 = arith.constant 0 : i32
      %dma_start3A_104 = arith.constant 0 : i32
      %dma_start3A_105 = arith.constant 0 : i32
      %dma_start3A_106 = arith.constant 0 : i32
      %dma_start3A_107 = tpu.memref_slice %arg7[%dma_start3A_103, %dma_start3A_104, %dma_start3A_105, %dma_start3A_106] : memref<2x8x50x64xf32, #tpu.memory_space<vmem>> -> memref<1x1x50x64xf32, #tpu.memory_space<vmem>>
      %dma_start3A_108 = tpu.memref_squeeze %dma_start3A_107 : memref<1x1x50x64xf32, #tpu.memory_space<vmem>> -> memref<50x64xf32, #tpu.memory_space<vmem>>
      %dma_start3A_109 = arith.constant 0 : i32
      %dma_start3A_110 = tpu.memref_slice %arg6[%dma_start3A_101, %dma_start3A_102, %dma_start3A_109] : memref<2x8x50xi32, #tpu.memory_space<vmem>> -> memref<1x1x50xi32, #tpu.memory_space<vmem>>
      %dma_start3A_111 = tpu.memref_squeeze %dma_start3A_110 : memref<1x1x50xi32, #tpu.memory_space<vmem>> -> memref<50xi32, #tpu.memory_space<vmem>>
      %dma_start3A_112 = arith.constant 0 : i32
      %dma_start3A_113 = arith.constant 0 : i32
      %dma_start3A_114 = tpu.memref_slice %arg5[%dma_start3A_112, %dma_start3A_113] : memref<60x64xf32, #tpu.memory_space<vmem_shared>> -> memref<60x64xf32, #tpu.memory_space<vmem_shared>>
      tpu.enqueue_indirect_dma source(%dma_start3A_114 : memref<60x64xf32, #tpu.memory_space<vmem_shared>>) target(%dma_start3A_108 : memref<50x64xf32, #tpu.memory_space<vmem>>) offsets(%dma_start3A_111 : memref<50xi32, #tpu.memory_space<vmem>>) semaphore(%arg10 : memref<!tpu.dma_semaphore, #tpu.memory_space<semaphore_mem>>)
      %dma_start3A_115 = arith.constant 0 : i32
      %dma_start3A_116 = arith.constant 1 : i32
      %dma_start3A_117 = arith.constant 0 : i32
      %dma_start3A_118 = arith.constant 1 : i32
      %dma_start3A_119 = arith.constant 0 : i32
      %dma_start3A_120 = arith.constant 0 : i32
      %dma_start3A_121 = tpu.memref_slice %arg7[%dma_start3A_117, %dma_start3A_118, %dma_start3A_119, %dma_start3A_120] : memref<2x8x50x64xf32, #tpu.memory_space<vmem>> -> memref<1x1x50x64xf32, #tpu.memory_space<vmem>>
      %dma_start3A_122 = tpu.memref_squeeze %dma_start3A_121 : memref<1x1x50x64xf32, #tpu.memory_space<vmem>> -> memref<50x64xf32, #tpu.memory_space<vmem>>
      %dma_start3A_123 = arith.constant 0 : i32
      %dma_start3A_124 = tpu.memref_slice %arg6[%dma_start3A_115, %dma_start3A_116, %dma_start3A_123] : memref<2x8x50xi32, #tpu.memory_space<vmem>> -> memref<1x1x50xi32, #tpu.memory_space<vmem>>
      %dma_start3A_125 = tpu.memref_squeeze %dma_start3A_124 : memref<1x1x50xi32, #tpu.memory_space<vmem>> -> memref<50xi32, #tpu.memory_space<vmem>>
      %dma_start3A_126 = arith.constant 0 : i32
      %dma_start3A_127 = arith.constant 0 : i32
      %dma_start3A_128 = tpu.memref_slice %arg5[%dma_start3A_126, %dma_start3A_127] : memref<60x64xf32, #tpu.memory_space<vmem_shared>> -> memref<60x64xf32, #tpu.memory_space<vmem_shared>>
      tpu.enqueue_indirect_dma source(%dma_start3A_128 : memref<60x64xf32, #tpu.memory_space<vmem_shared>>) target(%dma_start3A_122 : memref<50x64xf32, #tpu.memory_space<vmem>>) offsets(%dma_start3A_125 : memref<50xi32, #tpu.memory_space<vmem>>) semaphore(%arg10 : memref<!tpu.dma_semaphore, #tpu.memory_space<semaphore_mem>>)
      %dma_start3A_129 = arith.constant 0 : i32
      %dma_start3A_130 = arith.constant 2 : i32
      %dma_start3A_131 = arith.constant 0 : i32
      %dma_start3A_132 = arith.constant 2 : i32
      %dma_start3A_133 = arith.constant 0 : i32
      %dma_start3A_134 = arith.constant 0 : i32
      %dma_start3A_135 = tpu.memref_slice %arg7[%dma_start3A_131, %dma_start3A_132, %dma_start3A_133, %dma_start3A_134] : memref<2x8x50x64xf32, #tpu.memory_space<vmem>> -> memref<1x1x50x64xf32, #tpu.memory_space<vmem>>
      %dma_start3A_136 = tpu.memref_squeeze %dma_start3A_135 : memref<1x1x50x64xf32, #tpu.memory_space<vmem>> -> memref<50x64xf32, #tpu.memory_space<vmem>>
      %dma_start3A_137 = arith.constant 0 : i32
      %dma_start3A_138 = tpu.memref_slice %arg6[%dma_start3A_129, %dma_start3A_130, %dma_start3A_137] : memref<2x8x50xi32, #tpu.memory_space<vmem>> -> memref<1x1x50xi32, #tpu.memory_space<vmem>>
      %dma_start3A_139 = tpu.memref_squeeze %dma_start3A_138 : memref<1x1x50xi32, #tpu.memory_space<vmem>> -> memref<50xi32, #tpu.memory_space<vmem>>
      %dma_start3A_140 = arith.constant 0 : i32
      %dma_start3A_141 = arith.constant 0 : i32
      %dma_start3A_142 = tpu.memref_slice %arg5[%dma_start3A_140, %dma_start3A_141] : memref<60x64xf32, #tpu.memory_space<vmem_shared>> -> memref<60x64xf32, #tpu.memory_space<vmem_shared>>
      tpu.enqueue_indirect_dma source(%dma_start3A_142 : memref<60x64xf32, #tpu.memory_space<vmem_shared>>) target(%dma_start3A_136 : memref<50x64xf32, #tpu.memory_space<vmem>>) offsets(%dma_start3A_139 : memref<50xi32, #tpu.memory_space<vmem>>) semaphore(%arg10 : memref<!tpu.dma_semaphore, #tpu.memory_space<semaphore_mem>>)
      %dma_start3A_143 = arith.constant 0 : i32
      %dma_start3A_144 = arith.constant 3 : i32
      %dma_start3A_145 = arith.constant 0 : i32
      %dma_start3A_146 = arith.constant 3 : i32
      %dma_start3A_147 = arith.constant 0 : i32
      %dma_start3A_148 = arith.constant 0 : i32
      %dma_start3A_149 = tpu.memref_slice %arg7[%dma_start3A_145, %dma_start3A_146, %dma_start3A_147, %dma_start3A_148] : memref<2x8x50x64xf32, #tpu.memory_space<vmem>> -> memref<1x1x50x64xf32, #tpu.memory_space<vmem>>
      %dma_start3A_150 = tpu.memref_squeeze %dma_start3A_149 : memref<1x1x50x64xf32, #tpu.memory_space<vmem>> -> memref<50x64xf32, #tpu.memory_space<vmem>>
      %dma_start3A_151 = arith.constant 0 : i32
      %dma_start3A_152 = tpu.memref_slice %arg6[%dma_start3A_143, %dma_start3A_144, %dma_start3A_151] : memref<2x8x50xi32, #tpu.memory_space<vmem>> -> memref<1x1x50xi32, #tpu.memory_space<vmem>>
      %dma_start3A_153 = tpu.memref_squeeze %dma_start3A_152 : memref<1x1x50xi32, #tpu.memory_space<vmem>> -> memref<50xi32, #tpu.memory_space<vmem>>
      %dma_start3A_154 = arith.constant 0 : i32
      %dma_start3A_155 = arith.constant 0 : i32
      %dma_start3A_156 = tpu.memref_slice %arg5[%dma_start3A_154, %dma_start3A_155] : memref<60x64xf32, #tpu.memory_space<vmem_shared>> -> memref<60x64xf32, #tpu.memory_space<vmem_shared>>
      tpu.enqueue_indirect_dma source(%dma_start3A_156 : memref<60x64xf32, #tpu.memory_space<vmem_shared>>) target(%dma_start3A_150 : memref<50x64xf32, #tpu.memory_space<vmem>>) offsets(%dma_start3A_153 : memref<50xi32, #tpu.memory_space<vmem>>) semaphore(%arg10 : memref<!tpu.dma_semaphore, #tpu.memory_space<semaphore_mem>>)
      %dma_start3A_157 = arith.constant 0 : i32
      %dma_start3A_158 = arith.constant 4 : i32
      %dma_start3A_159 = arith.constant 0 : i32
      %dma_start3A_160 = arith.constant 4 : i32
      %dma_start3A_161 = arith.constant 0 : i32
      %dma_start3A_162 = arith.constant 0 : i32
      %dma_start3A_163 = tpu.memref_slice %arg7[%dma_start3A_159, %dma_start3A_160, %dma_start3A_161, %dma_start3A_162] : memref<2x8x50x64xf32, #tpu.memory_space<vmem>> -> memref<1x1x50x64xf32, #tpu.memory_space<vmem>>
      %dma_start3A_164 = tpu.memref_squeeze %dma_start3A_163 : memref<1x1x50x64xf32, #tpu.memory_space<vmem>> -> memref<50x64xf32, #tpu.memory_space<vmem>>
      %dma_start3A_165 = arith.constant 0 : i32
      %dma_start3A_166 = tpu.memref_slice %arg6[%dma_start3A_157, %dma_start3A_158, %dma_start3A_165] : memref<2x8x50xi32, #tpu.memory_space<vmem>> -> memref<1x1x50xi32, #tpu.memory_space<vmem>>
      %dma_start3A_167 = tpu.memref_squeeze %dma_start3A_166 : memref<1x1x50xi32, #tpu.memory_space<vmem>> -> memref<50xi32, #tpu.memory_space<vmem>>
      %dma_start3A_168 = arith.constant 0 : i32
      %dma_start3A_169 = arith.constant 0 : i32
      %dma_start3A_170 = tpu.memref_slice %arg5[%dma_start3A_168, %dma_start3A_169] : memref<60x64xf32, #tpu.memory_space<vmem_shared>> -> memref<60x64xf32, #tpu.memory_space<vmem_shared>>
      tpu.enqueue_indirect_dma source(%dma_start3A_170 : memref<60x64xf32, #tpu.memory_space<vmem_shared>>) target(%dma_start3A_164 : memref<50x64xf32, #tpu.memory_space<vmem>>) offsets(%dma_start3A_167 : memref<50xi32, #tpu.memory_space<vmem>>) semaphore(%arg10 : memref<!tpu.dma_semaphore, #tpu.memory_space<semaphore_mem>>)
      %dma_start3A_171 = arith.constant 0 : i32
      %dma_start3A_172 = arith.constant 5 : i32
      %dma_start3A_173 = arith.constant 0 : i32
      %dma_start3A_174 = arith.constant 5 : i32
      %dma_start3A_175 = arith.constant 0 : i32
      %dma_start3A_176 = arith.constant 0 : i32
      %dma_start3A_177 = tpu.memref_slice %arg7[%dma_start3A_173, %dma_start3A_174, %dma_start3A_175, %dma_start3A_176] : memref<2x8x50x64xf32, #tpu.memory_space<vmem>> -> memref<1x1x50x64xf32, #tpu.memory_space<vmem>>
      %dma_start3A_178 = tpu.memref_squeeze %dma_start3A_177 : memref<1x1x50x64xf32, #tpu.memory_space<vmem>> -> memref<50x64xf32, #tpu.memory_space<vmem>>
      %dma_start3A_179 = arith.constant 0 : i32
      %dma_start3A_180 = tpu.memref_slice %arg6[%dma_start3A_171, %dma_start3A_172, %dma_start3A_179] : memref<2x8x50xi32, #tpu.memory_space<vmem>> -> memref<1x1x50xi32, #tpu.memory_space<vmem>>
      %dma_start3A_181 = tpu.memref_squeeze %dma_start3A_180 : memref<1x1x50xi32, #tpu.memory_space<vmem>> -> memref<50xi32, #tpu.memory_space<vmem>>
      %dma_start3A_182 = arith.constant 0 : i32
      %dma_start3A_183 = arith.constant 0 : i32
      %dma_start3A_184 = tpu.memref_slice %arg5[%dma_start3A_182, %dma_start3A_183] : memref<60x64xf32, #tpu.memory_space<vmem_shared>> -> memref<60x64xf32, #tpu.memory_space<vmem_shared>>
      tpu.enqueue_indirect_dma source(%dma_start3A_184 : memref<60x64xf32, #tpu.memory_space<vmem_shared>>) target(%dma_start3A_178 : memref<50x64xf32, #tpu.memory_space<vmem>>) offsets(%dma_start3A_181 : memref<50xi32, #tpu.memory_space<vmem>>) semaphore(%arg10 : memref<!tpu.dma_semaphore, #tpu.memory_space<semaphore_mem>>)
      %dma_start3A_185 = arith.constant 0 : i32
      %dma_start3A_186 = arith.constant 6 : i32
      %dma_start3A_187 = arith.constant 0 : i32
      %dma_start3A_188 = arith.constant 6 : i32
      %dma_start3A_189 = arith.constant 0 : i32
      %dma_start3A_190 = arith.constant 0 : i32
      %dma_start3A_191 = tpu.memref_slice %arg7[%dma_start3A_187, %dma_start3A_188, %dma_start3A_189, %dma_start3A_190] : memref<2x8x50x64xf32, #tpu.memory_space<vmem>> -> memref<1x1x50x64xf32, #tpu.memory_space<vmem>>
      %dma_start3A_192 = tpu.memref_squeeze %dma_start3A_191 : memref<1x1x50x64xf32, #tpu.memory_space<vmem>> -> memref<50x64xf32, #tpu.memory_space<vmem>>
      %dma_start3A_193 = arith.constant 0 : i32
      %dma_start3A_194 = tpu.memref_slice %arg6[%dma_start3A_185, %dma_start3A_186, %dma_start3A_193] : memref<2x8x50xi32, #tpu.memory_space<vmem>> -> memref<1x1x50xi32, #tpu.memory_space<vmem>>
      %dma_start3A_195 = tpu.memref_squeeze %dma_start3A_194 : memref<1x1x50xi32, #tpu.memory_space<vmem>> -> memref<50xi32, #tpu.memory_space<vmem>>
      %dma_start3A_196 = arith.constant 0 : i32
      %dma_start3A_197 = arith.constant 0 : i32
      %dma_start3A_198 = tpu.memref_slice %arg5[%dma_start3A_196, %dma_start3A_197] : memref<60x64xf32, #tpu.memory_space<vmem_shared>> -> memref<60x64xf32, #tpu.memory_space<vmem_shared>>
      tpu.enqueue_indirect_dma source(%dma_start3A_198 : memref<60x64xf32, #tpu.memory_space<vmem_shared>>) target(%dma_start3A_192 : memref<50x64xf32, #tpu.memory_space<vmem>>) offsets(%dma_start3A_195 : memref<50xi32, #tpu.memory_space<vmem>>) semaphore(%arg10 : memref<!tpu.dma_semaphore, #tpu.memory_space<semaphore_mem>>)
      %dma_start3A_199 = arith.constant 0 : i32
      %dma_start3A_200 = arith.constant 7 : i32
      %dma_start3A_201 = arith.constant 0 : i32
      %dma_start3A_202 = arith.constant 7 : i32
      %dma_start3A_203 = arith.constant 0 : i32
      %dma_start3A_204 = arith.constant 0 : i32
      %dma_start3A_205 = tpu.memref_slice %arg7[%dma_start3A_201, %dma_start3A_202, %dma_start3A_203, %dma_start3A_204] : memref<2x8x50x64xf32, #tpu.memory_space<vmem>> -> memref<1x1x50x64xf32, #tpu.memory_space<vmem>>
      %dma_start3A_206 = tpu.memref_squeeze %dma_start3A_205 : memref<1x1x50x64xf32, #tpu.memory_space<vmem>> -> memref<50x64xf32, #tpu.memory_space<vmem>>
      %dma_start3A_207 = arith.constant 0 : i32
      %dma_start3A_208 = tpu.memref_slice %arg6[%dma_start3A_199, %dma_start3A_200, %dma_start3A_207] : memref<2x8x50xi32, #tpu.memory_space<vmem>> -> memref<1x1x50xi32, #tpu.memory_space<vmem>>
      %dma_start3A_209 = tpu.memref_squeeze %dma_start3A_208 : memref<1x1x50xi32, #tpu.memory_space<vmem>> -> memref<50xi32, #tpu.memory_space<vmem>>
      %dma_start3A_210 = arith.constant 0 : i32
      %dma_start3A_211 = arith.constant 0 : i32
      %dma_start3A_212 = tpu.memref_slice %arg5[%dma_start3A_210, %dma_start3A_211] : memref<60x64xf32, #tpu.memory_space<vmem_shared>> -> memref<60x64xf32, #tpu.memory_space<vmem_shared>>
      tpu.enqueue_indirect_dma source(%dma_start3A_212 : memref<60x64xf32, #tpu.memory_space<vmem_shared>>) target(%dma_start3A_206 : memref<50x64xf32, #tpu.memory_space<vmem>>) offsets(%dma_start3A_209 : memref<50xi32, #tpu.memory_space<vmem>>) semaphore(%arg10 : memref<!tpu.dma_semaphore, #tpu.memory_space<semaphore_mem>>)
      %dma_wait3A_213 = arith.constant 0 : i32
      %dma_wait3A_214 = arith.constant 0 : i32
      %dma_wait3A_215 = arith.constant 0 : i32
      %dma_wait3A_216 = arith.constant 0 : i32
      %dma_wait3A_217 = arith.constant 0 : i32
      %dma_wait3A_218 = arith.constant 0 : i32
      %dma_wait3A_219 = tpu.memref_slice %arg7[%dma_wait3A_215, %dma_wait3A_216, %dma_wait3A_217, %dma_wait3A_218] : memref<2x8x50x64xf32, #tpu.memory_space<vmem>> -> memref<1x1x50x64xf32, #tpu.memory_space<vmem>>
      %dma_wait3A_220 = tpu.memref_squeeze %dma_wait3A_219 : memref<1x1x50x64xf32, #tpu.memory_space<vmem>> -> memref<50x64xf32, #tpu.memory_space<vmem>>
      %dma_wait3A_221 = arith.constant 0 : i32
      %dma_wait3A_222 = tpu.memref_slice %arg6[%dma_wait3A_213, %dma_wait3A_214, %dma_wait3A_221] : memref<2x8x50xi32, #tpu.memory_space<vmem>> -> memref<1x1x50xi32, #tpu.memory_space<vmem>>
      %dma_wait3A_223 = tpu.memref_squeeze %dma_wait3A_222 : memref<1x1x50xi32, #tpu.memory_space<vmem>> -> memref<50xi32, #tpu.memory_space<vmem>>
      %dma_wait3A_224 = arith.constant 0 : i32
      %dma_wait3A_225 = arith.constant 0 : i32
      %dma_wait3A_226 = tpu.memref_slice %arg5[%dma_wait3A_224, %dma_wait3A_225] : memref<60x64xf32, #tpu.memory_space<vmem_shared>> -> memref<60x64xf32, #tpu.memory_space<vmem_shared>>
      tpu.wait_indirect_dma semaphore(%arg10 : memref<!tpu.dma_semaphore, #tpu.memory_space<semaphore_mem>>) src(%dma_wait3A_226 : memref<60x64xf32, #tpu.memory_space<vmem_shared>>) dst(%dma_wait3A_220 : memref<50x64xf32, #tpu.memory_space<vmem>>)
      %dma_wait3A_227 = arith.constant 0 : i32
      %dma_wait3A_228 = arith.constant 1 : i32
      %dma_wait3A_229 = arith.constant 0 : i32
      %dma_wait3A_230 = arith.constant 1 : i32
      %dma_wait3A_231 = arith.constant 0 : i32
      %dma_wait3A_232 = arith.constant 0 : i32
      %dma_wait3A_233 = tpu.memref_slice %arg7[%dma_wait3A_229, %dma_wait3A_230, %dma_wait3A_231, %dma_wait3A_232] : memref<2x8x50x64xf32, #tpu.memory_space<vmem>> -> memref<1x1x50x64xf32, #tpu.memory_space<vmem>>
      %dma_wait3A_234 = tpu.memref_squeeze %dma_wait3A_233 : memref<1x1x50x64xf32, #tpu.memory_space<vmem>> -> memref<50x64xf32, #tpu.memory_space<vmem>>
      %dma_wait3A_235 = arith.constant 0 : i32
      %dma_wait3A_236 = tpu.memref_slice %arg6[%dma_wait3A_227, %dma_wait3A_228, %dma_wait3A_235] : memref<2x8x50xi32, #tpu.memory_space<vmem>> -> memref<1x1x50xi32, #tpu.memory_space<vmem>>
      %dma_wait3A_237 = tpu.memref_squeeze %dma_wait3A_236 : memref<1x1x50xi32, #tpu.memory_space<vmem>> -> memref<50xi32, #tpu.memory_space<vmem>>
      %dma_wait3A_238 = arith.constant 0 : i32
      %dma_wait3A_239 = arith.constant 0 : i32
      %dma_wait3A_240 = tpu.memref_slice %arg5[%dma_wait3A_238, %dma_wait3A_239] : memref<60x64xf32, #tpu.memory_space<vmem_shared>> -> memref<60x64xf32, #tpu.memory_space<vmem_shared>>
      tpu.wait_indirect_dma semaphore(%arg10 : memref<!tpu.dma_semaphore, #tpu.memory_space<semaphore_mem>>) src(%dma_wait3A_240 : memref<60x64xf32, #tpu.memory_space<vmem_shared>>) dst(%dma_wait3A_234 : memref<50x64xf32, #tpu.memory_space<vmem>>)
      %dma_wait3A_241 = arith.constant 0 : i32
      %dma_wait3A_242 = arith.constant 2 : i32
      %dma_wait3A_243 = arith.constant 0 : i32
      %dma_wait3A_244 = arith.constant 2 : i32
      %dma_wait3A_245 = arith.constant 0 : i32
      %dma_wait3A_246 = arith.constant 0 : i32
      %dma_wait3A_247 = tpu.memref_slice %arg7[%dma_wait3A_243, %dma_wait3A_244, %dma_wait3A_245, %dma_wait3A_246] : memref<2x8x50x64xf32, #tpu.memory_space<vmem>> -> memref<1x1x50x64xf32, #tpu.memory_space<vmem>>
      %dma_wait3A_248 = tpu.memref_squeeze %dma_wait3A_247 : memref<1x1x50x64xf32, #tpu.memory_space<vmem>> -> memref<50x64xf32, #tpu.memory_space<vmem>>
      %dma_wait3A_249 = arith.constant 0 : i32
      %dma_wait3A_250 = tpu.memref_slice %arg6[%dma_wait3A_241, %dma_wait3A_242, %dma_wait3A_249] : memref<2x8x50xi32, #tpu.memory_space<vmem>> -> memref<1x1x50xi32, #tpu.memory_space<vmem>>
      %dma_wait3A_251 = tpu.memref_squeeze %dma_wait3A_250 : memref<1x1x50xi32, #tpu.memory_space<vmem>> -> memref<50xi32, #tpu.memory_space<vmem>>
      %dma_wait3A_252 = arith.constant 0 : i32
      %dma_wait3A_253 = arith.constant 0 : i32
      %dma_wait3A_254 = tpu.memref_slice %arg5[%dma_wait3A_252, %dma_wait3A_253] : memref<60x64xf32, #tpu.memory_space<vmem_shared>> -> memref<60x64xf32, #tpu.memory_space<vmem_shared>>
      tpu.wait_indirect_dma semaphore(%arg10 : memref<!tpu.dma_semaphore, #tpu.memory_space<semaphore_mem>>) src(%dma_wait3A_254 : memref<60x64xf32, #tpu.memory_space<vmem_shared>>) dst(%dma_wait3A_248 : memref<50x64xf32, #tpu.memory_space<vmem>>)
      %dma_wait3A_255 = arith.constant 0 : i32
      %dma_wait3A_256 = arith.constant 3 : i32
      %dma_wait3A_257 = arith.constant 0 : i32
      %dma_wait3A_258 = arith.constant 3 : i32
      %dma_wait3A_259 = arith.constant 0 : i32
      %dma_wait3A_260 = arith.constant 0 : i32
      %dma_wait3A_261 = tpu.memref_slice %arg7[%dma_wait3A_257, %dma_wait3A_258, %dma_wait3A_259, %dma_wait3A_260] : memref<2x8x50x64xf32, #tpu.memory_space<vmem>> -> memref<1x1x50x64xf32, #tpu.memory_space<vmem>>
      %dma_wait3A_262 = tpu.memref_squeeze %dma_wait3A_261 : memref<1x1x50x64xf32, #tpu.memory_space<vmem>> -> memref<50x64xf32, #tpu.memory_space<vmem>>
      %dma_wait3A_263 = arith.constant 0 : i32
      %dma_wait3A_264 = tpu.memref_slice %arg6[%dma_wait3A_255, %dma_wait3A_256, %dma_wait3A_263] : memref<2x8x50xi32, #tpu.memory_space<vmem>> -> memref<1x1x50xi32, #tpu.memory_space<vmem>>
      %dma_wait3A_265 = tpu.memref_squeeze %dma_wait3A_264 : memref<1x1x50xi32, #tpu.memory_space<vmem>> -> memref<50xi32, #tpu.memory_space<vmem>>
      %dma_wait3A_266 = arith.constant 0 : i32
      %dma_wait3A_267 = arith.constant 0 : i32
      %dma_wait3A_268 = tpu.memref_slice %arg5[%dma_wait3A_266, %dma_wait3A_267] : memref<60x64xf32, #tpu.memory_space<vmem_shared>> -> memref<60x64xf32, #tpu.memory_space<vmem_shared>>
      tpu.wait_indirect_dma semaphore(%arg10 : memref<!tpu.dma_semaphore, #tpu.memory_space<semaphore_mem>>) src(%dma_wait3A_268 : memref<60x64xf32, #tpu.memory_space<vmem_shared>>) dst(%dma_wait3A_262 : memref<50x64xf32, #tpu.memory_space<vmem>>)
      %dma_wait3A_269 = arith.constant 0 : i32
      %dma_wait3A_270 = arith.constant 4 : i32
      %dma_wait3A_271 = arith.constant 0 : i32
      %dma_wait3A_272 = arith.constant 4 : i32
      %dma_wait3A_273 = arith.constant 0 : i32
      %dma_wait3A_274 = arith.constant 0 : i32
      %dma_wait3A_275 = tpu.memref_slice %arg7[%dma_wait3A_271, %dma_wait3A_272, %dma_wait3A_273, %dma_wait3A_274] : memref<2x8x50x64xf32, #tpu.memory_space<vmem>> -> memref<1x1x50x64xf32, #tpu.memory_space<vmem>>
      %dma_wait3A_276 = tpu.memref_squeeze %dma_wait3A_275 : memref<1x1x50x64xf32, #tpu.memory_space<vmem>> -> memref<50x64xf32, #tpu.memory_space<vmem>>
      %dma_wait3A_277 = arith.constant 0 : i32
      %dma_wait3A_278 = tpu.memref_slice %arg6[%dma_wait3A_269, %dma_wait3A_270, %dma_wait3A_277] : memref<2x8x50xi32, #tpu.memory_space<vmem>> -> memref<1x1x50xi32, #tpu.memory_space<vmem>>
      %dma_wait3A_279 = tpu.memref_squeeze %dma_wait3A_278 : memref<1x1x50xi32, #tpu.memory_space<vmem>> -> memref<50xi32, #tpu.memory_space<vmem>>
      %dma_wait3A_280 = arith.constant 0 : i32
      %dma_wait3A_281 = arith.constant 0 : i32
      %dma_wait3A_282 = tpu.memref_slice %arg5[%dma_wait3A_280, %dma_wait3A_281] : memref<60x64xf32, #tpu.memory_space<vmem_shared>> -> memref<60x64xf32, #tpu.memory_space<vmem_shared>>
      tpu.wait_indirect_dma semaphore(%arg10 : memref<!tpu.dma_semaphore, #tpu.memory_space<semaphore_mem>>) src(%dma_wait3A_282 : memref<60x64xf32, #tpu.memory_space<vmem_shared>>) dst(%dma_wait3A_276 : memref<50x64xf32, #tpu.memory_space<vmem>>)
      %dma_wait3A_283 = arith.constant 0 : i32
      %dma_wait3A_284 = arith.constant 5 : i32
      %dma_wait3A_285 = arith.constant 0 : i32
      %dma_wait3A_286 = arith.constant 5 : i32
      %dma_wait3A_287 = arith.constant 0 : i32
      %dma_wait3A_288 = arith.constant 0 : i32
      %dma_wait3A_289 = tpu.memref_slice %arg7[%dma_wait3A_285, %dma_wait3A_286, %dma_wait3A_287, %dma_wait3A_288] : memref<2x8x50x64xf32, #tpu.memory_space<vmem>> -> memref<1x1x50x64xf32, #tpu.memory_space<vmem>>
      %dma_wait3A_290 = tpu.memref_squeeze %dma_wait3A_289 : memref<1x1x50x64xf32, #tpu.memory_space<vmem>> -> memref<50x64xf32, #tpu.memory_space<vmem>>
      %dma_wait3A_291 = arith.constant 0 : i32
      %dma_wait3A_292 = tpu.memref_slice %arg6[%dma_wait3A_283, %dma_wait3A_284, %dma_wait3A_291] : memref<2x8x50xi32, #tpu.memory_space<vmem>> -> memref<1x1x50xi32, #tpu.memory_space<vmem>>
      %dma_wait3A_293 = tpu.memref_squeeze %dma_wait3A_292 : memref<1x1x50xi32, #tpu.memory_space<vmem>> -> memref<50xi32, #tpu.memory_space<vmem>>
      %dma_wait3A_294 = arith.constant 0 : i32
      %dma_wait3A_295 = arith.constant 0 : i32
      %dma_wait3A_296 = tpu.memref_slice %arg5[%dma_wait3A_294, %dma_wait3A_295] : memref<60x64xf32, #tpu.memory_space<vmem_shared>> -> memref<60x64xf32, #tpu.memory_space<vmem_shared>>
      tpu.wait_indirect_dma semaphore(%arg10 : memref<!tpu.dma_semaphore, #tpu.memory_space<semaphore_mem>>) src(%dma_wait3A_296 : memref<60x64xf32, #tpu.memory_space<vmem_shared>>) dst(%dma_wait3A_290 : memref<50x64xf32, #tpu.memory_space<vmem>>)
      %dma_wait3A_297 = arith.constant 0 : i32
      %dma_wait3A_298 = arith.constant 6 : i32
      %dma_wait3A_299 = arith.constant 0 : i32
      %dma_wait3A_300 = arith.constant 6 : i32
      %dma_wait3A_301 = arith.constant 0 : i32
      %dma_wait3A_302 = arith.constant 0 : i32
      %dma_wait3A_303 = tpu.memref_slice %arg7[%dma_wait3A_299, %dma_wait3A_300, %dma_wait3A_301, %dma_wait3A_302] : memref<2x8x50x64xf32, #tpu.memory_space<vmem>> -> memref<1x1x50x64xf32, #tpu.memory_space<vmem>>
      %dma_wait3A_304 = tpu.memref_squeeze %dma_wait3A_303 : memref<1x1x50x64xf32, #tpu.memory_space<vmem>> -> memref<50x64xf32, #tpu.memory_space<vmem>>
      %dma_wait3A_305 = arith.constant 0 : i32
      %dma_wait3A_306 = tpu.memref_slice %arg6[%dma_wait3A_297, %dma_wait3A_298, %dma_wait3A_305] : memref<2x8x50xi32, #tpu.memory_space<vmem>> -> memref<1x1x50xi32, #tpu.memory_space<vmem>>
      %dma_wait3A_307 = tpu.memref_squeeze %dma_wait3A_306 : memref<1x1x50xi32, #tpu.memory_space<vmem>> -> memref<50xi32, #tpu.memory_space<vmem>>
      %dma_wait3A_308 = arith.constant 0 : i32
      %dma_wait3A_309 = arith.constant 0 : i32
      %dma_wait3A_310 = tpu.memref_slice %arg5[%dma_wait3A_308, %dma_wait3A_309] : memref<60x64xf32, #tpu.memory_space<vmem_shared>> -> memref<60x64xf32, #tpu.memory_space<vmem_shared>>
      tpu.wait_indirect_dma semaphore(%arg10 : memref<!tpu.dma_semaphore, #tpu.memory_space<semaphore_mem>>) src(%dma_wait3A_310 : memref<60x64xf32, #tpu.memory_space<vmem_shared>>) dst(%dma_wait3A_304 : memref<50x64xf32, #tpu.memory_space<vmem>>)
      %dma_wait3A_311 = arith.constant 0 : i32
      %dma_wait3A_312 = arith.constant 7 : i32
      %dma_wait3A_313 = arith.constant 0 : i32
      %dma_wait3A_314 = arith.constant 7 : i32
      %dma_wait3A_315 = arith.constant 0 : i32
      %dma_wait3A_316 = arith.constant 0 : i32
      %dma_wait3A_317 = tpu.memref_slice %arg7[%dma_wait3A_313, %dma_wait3A_314, %dma_wait3A_315, %dma_wait3A_316] : memref<2x8x50x64xf32, #tpu.memory_space<vmem>> -> memref<1x1x50x64xf32, #tpu.memory_space<vmem>>
      %dma_wait3A_318 = tpu.memref_squeeze %dma_wait3A_317 : memref<1x1x50x64xf32, #tpu.memory_space<vmem>> -> memref<50x64xf32, #tpu.memory_space<vmem>>
      %dma_wait3A_319 = arith.constant 0 : i32
      %dma_wait3A_320 = tpu.memref_slice %arg6[%dma_wait3A_311, %dma_wait3A_312, %dma_wait3A_319] : memref<2x8x50xi32, #tpu.memory_space<vmem>> -> memref<1x1x50xi32, #tpu.memory_space<vmem>>
      %dma_wait3A_321 = tpu.memref_squeeze %dma_wait3A_320 : memref<1x1x50xi32, #tpu.memory_space<vmem>> -> memref<50xi32, #tpu.memory_space<vmem>>
      %dma_wait3A_322 = arith.constant 0 : i32
      %dma_wait3A_323 = arith.constant 0 : i32
      %dma_wait3A_324 = tpu.memref_slice %arg5[%dma_wait3A_322, %dma_wait3A_323] : memref<60x64xf32, #tpu.memory_space<vmem_shared>> -> memref<60x64xf32, #tpu.memory_space<vmem_shared>>
      tpu.wait_indirect_dma semaphore(%arg10 : memref<!tpu.dma_semaphore, #tpu.memory_space<semaphore_mem>>) src(%dma_wait3A_324 : memref<60x64xf32, #tpu.memory_space<vmem_shared>>) dst(%dma_wait3A_318 : memref<50x64xf32, #tpu.memory_space<vmem>>)
      %mul3A_325 = arith.constant 8 : i32
      %mul3A_326 = arith.muli %add3A_80, %mul3A_325 : i32
      %add3A_327 = arith.addi %mul3A_2, %mul3A_326 : i32
      %dma_start3A_328 = arith.constant 0 : i32
      %dma_start3A_329 = arith.constant 0 : i32
      %dma_start3A_330 = arith.constant 0 : i32
      %dma_start3A_331 = arith.constant 0 : i32
      %dma_start3A_332 = tpu.memref_slice %arg7[%dma_start3A_328, %dma_start3A_329, %dma_start3A_330, %dma_start3A_331] : memref<2x8x50x64xf32, #tpu.memory_space<vmem>> -> memref<1x8x50x64xf32, #tpu.memory_space<vmem>>
      %dma_start3A_333 = tpu.memref_squeeze %dma_start3A_332 : memref<1x8x50x64xf32, #tpu.memory_space<vmem>> -> memref<8x50x64xf32, #tpu.memory_space<vmem>>
      %dma_start3A_334 = arith.constant 0 : i32
      %dma_start3A_335 = arith.constant 0 : i32
      %dma_start3A_336 = tpu.memref_slice %arg4[%add3A_327, %dma_start3A_334, %dma_start3A_335] : memref<16384x50x64xf32, #tpu.memory_space<hbm>> -> memref<8x50x64xf32, #tpu.memory_space<hbm>>
      %dma_start3A_337 = arith.constant 0 : i32
      %dma_start3A_338 = arith.constant 0 : i32
      %dma_start3A_339 = tpu.memref_slice %arg4[%add3A_327, %dma_start3A_337, %dma_start3A_338] : memref<16384x50x64xf32, #tpu.memory_space<hbm>> -> memref<8x50x64xf32, #tpu.memory_space<hbm>>
      %dma_start3A_340 = arith.constant 0 : i32
      %dma_start3A_341 = arith.constant 0 : i32
      %dma_start3A_342 = arith.constant 0 : i32
      %dma_start3A_343 = tpu.memref_slice %arg7[%dma_start3A_328, %dma_start3A_340, %dma_start3A_341, %dma_start3A_342] : memref<2x8x50x64xf32, #tpu.memory_space<vmem>> -> memref<1x8x50x64xf32, #tpu.memory_space<vmem>>
      %dma_start3A_344 = tpu.memref_squeeze %dma_start3A_343 : memref<1x8x50x64xf32, #tpu.memory_space<vmem>> -> memref<8x50x64xf32, #tpu.memory_space<vmem>>
      tpu.enqueue_dma source(%dma_start3A_344 : memref<8x50x64xf32, #tpu.memory_space<vmem>>) target(%dma_start3A_339 : memref<8x50x64xf32, #tpu.memory_space<hbm>>) target_semaphore(%arg12 : memref<!tpu.dma_semaphore, #tpu.memory_space<semaphore_mem>>)
      %lt3A = arith.constant 31 : i32
      %lt3A_345 = arith.cmpi slt, %scan3A_76, %lt3A : i32
      %convert_element_type3A_346 = arith.extui %lt3A_345 : i1 to i32
      %cond3A_347 = arith.constant 0 : i32
      %cond3A_348 = arith.cmpi ne, %convert_element_type3A_346, %cond3A_347 : i32
      scf.if %cond3A_348 {
        %add3A_623 = arith.constant 2 : i32
        %add3A_624 = arith.addi %add3A_80, %add3A_623 : i32
        %mul3A_625 = arith.constant 8 : i32
        %mul3A_626 = arith.muli %add3A_624, %mul3A_625 : i32
        %add3A_627 = arith.addi %mul3A_2, %mul3A_626 : i32
        %dma_start3A_628 = arith.constant 0 : i32
        %dma_start3A_629 = arith.constant 0 : i32
        %dma_start3A_630 = arith.constant 0 : i32
        %dma_start3A_631 = tpu.memref_slice %arg6[%dma_start3A_628, %dma_start3A_629, %dma_start3A_630] : memref<2x8x50xi32, #tpu.memory_space<vmem>> -> memref<1x8x50xi32, #tpu.memory_space<vmem>>
        %dma_start3A_632 = tpu.memref_squeeze %dma_start3A_631 : memref<1x8x50xi32, #tpu.memory_space<vmem>> -> memref<8x50xi32, #tpu.memory_space<vmem>>
        %dma_start3A_633 = arith.constant 0 : i32
        %dma_start3A_634 = tpu.memref_slice %arg2[%add3A_627, %dma_start3A_633] : memref<16384x50xi32, #tpu.memory_space<hbm>> -> memref<8x50xi32, #tpu.memory_space<hbm>>
        %dma_start3A_635 = arith.constant 0 : i32
        %dma_start3A_636 = arith.constant 0 : i32
        %dma_start3A_637 = tpu.memref_slice %arg6[%dma_start3A_628, %dma_start3A_635, %dma_start3A_636] : memref<2x8x50xi32, #tpu.memory_space<vmem>> -> memref<1x8x50xi32, #tpu.memory_space<vmem>>
        %dma_start3A_638 = tpu.memref_squeeze %dma_start3A_637 : memref<1x8x50xi32, #tpu.memory_space<vmem>> -> memref<8x50xi32, #tpu.memory_space<vmem>>
        %dma_start3A_639 = arith.constant 0 : i32
        %dma_start3A_640 = tpu.memref_slice %arg2[%add3A_627, %dma_start3A_639] : memref<16384x50xi32, #tpu.memory_space<hbm>> -> memref<8x50xi32, #tpu.memory_space<hbm>>
        tpu.enqueue_dma source(%dma_start3A_640 : memref<8x50xi32, #tpu.memory_space<hbm>>) target(%dma_start3A_638 : memref<8x50xi32, #tpu.memory_space<vmem>>) target_semaphore(%arg8 : memref<!tpu.dma_semaphore, #tpu.memory_space<semaphore_mem>>)
      } else {
      }
      %mul3A_349 = arith.constant 2 : i32
      %mul3A_350 = arith.muli %mul3A_349, %scan3A_76 : i32
      %add3A_351 = arith.constant 1 : i32
      %add3A_352 = arith.addi %mul3A_350, %add3A_351 : i32
      %mul3A_353 = arith.constant 8 : i32
      %mul3A_354 = arith.muli %add3A_352, %mul3A_353 : i32
      %add3A_355 = arith.addi %mul3A_2, %mul3A_354 : i32
      %dma_wait3A_356 = arith.constant 1 : i32
      %dma_wait3A_357 = arith.constant 0 : i32
      %dma_wait3A_358 = arith.constant 0 : i32
      %dma_wait3A_359 = tpu.memref_slice %arg6[%dma_wait3A_356, %dma_wait3A_357, %dma_wait3A_358] : memref<2x8x50xi32, #tpu.memory_space<vmem>> -> memref<1x8x50xi32, #tpu.memory_space<vmem>>
      %dma_wait3A_360 = tpu.memref_squeeze %dma_wait3A_359 : memref<1x8x50xi32, #tpu.memory_space<vmem>> -> memref<8x50xi32, #tpu.memory_space<vmem>>
      %dma_wait3A_361 = arith.constant 0 : i32
      %dma_wait3A_362 = tpu.memref_slice %arg2[%add3A_355, %dma_wait3A_361] : memref<16384x50xi32, #tpu.memory_space<hbm>> -> memref<8x50xi32, #tpu.memory_space<hbm>>
      %dma_wait3A_363 = arith.constant 0 : i32
      %dma_wait3A_364 = arith.constant 0 : i32
      %dma_wait3A_365 = tpu.memref_slice %arg6[%dma_wait3A_356, %dma_wait3A_363, %dma_wait3A_364] : memref<2x8x50xi32, #tpu.memory_space<vmem>> -> memref<1x8x50xi32, #tpu.memory_space<vmem>>
      %dma_wait3A_366 = tpu.memref_squeeze %dma_wait3A_365 : memref<1x8x50xi32, #tpu.memory_space<vmem>> -> memref<8x50xi32, #tpu.memory_space<vmem>>
      %dma_wait3A_367 = arith.constant 0 : i32
      %dma_wait3A_368 = tpu.memref_slice %arg2[%add3A_355, %dma_wait3A_367] : memref<16384x50xi32, #tpu.memory_space<hbm>> -> memref<8x50xi32, #tpu.memory_space<hbm>>
      tpu.wait_dma2 semaphore(%arg9 : memref<!tpu.dma_semaphore, #tpu.memory_space<semaphore_mem>>) src(%dma_wait3A_368 : memref<8x50xi32, #tpu.memory_space<hbm>>) dst(%dma_wait3A_366 : memref<8x50xi32, #tpu.memory_space<vmem>>)
      %ge3A_369 = arith.constant 1 : i32
      %ge3A_370 = arith.cmpi sge, %scan3A_76, %ge3A_369 : i32
      %convert_element_type3A_371 = arith.extui %ge3A_370 : i1 to i32
      %cond3A_372 = arith.constant 0 : i32
      %cond3A_373 = arith.cmpi ne, %convert_element_type3A_371, %cond3A_372 : i32
      scf.if %cond3A_373 {
        %sub3A = arith.constant 2 : i32
        %sub3A_623 = arith.subi %add3A_352, %sub3A : i32
        %mul3A_624 = arith.constant 8 : i32
        %mul3A_625 = arith.muli %sub3A_623, %mul3A_624 : i32
        %add3A_626 = arith.addi %mul3A_2, %mul3A_625 : i32
        %dma_wait3A_627 = arith.constant 1 : i32
        %dma_wait3A_628 = arith.constant 0 : i32
        %dma_wait3A_629 = arith.constant 0 : i32
        %dma_wait3A_630 = arith.constant 0 : i32
        %dma_wait3A_631 = tpu.memref_slice %arg7[%dma_wait3A_627, %dma_wait3A_628, %dma_wait3A_629, %dma_wait3A_630] : memref<2x8x50x64xf32, #tpu.memory_space<vmem>> -> memref<1x8x50x64xf32, #tpu.memory_space<vmem>>
        %dma_wait3A_632 = tpu.memref_squeeze %dma_wait3A_631 : memref<1x8x50x64xf32, #tpu.memory_space<vmem>> -> memref<8x50x64xf32, #tpu.memory_space<vmem>>
        %dma_wait3A_633 = arith.constant 0 : i32
        %dma_wait3A_634 = arith.constant 0 : i32
        %dma_wait3A_635 = tpu.memref_slice %arg4[%add3A_626, %dma_wait3A_633, %dma_wait3A_634] : memref<16384x50x64xf32, #tpu.memory_space<hbm>> -> memref<8x50x64xf32, #tpu.memory_space<hbm>>
        %dma_wait3A_636 = arith.constant 0 : i32
        %dma_wait3A_637 = arith.constant 0 : i32
        %dma_wait3A_638 = tpu.memref_slice %arg4[%add3A_626, %dma_wait3A_636, %dma_wait3A_637] : memref<16384x50x64xf32, #tpu.memory_space<hbm>> -> memref<8x50x64xf32, #tpu.memory_space<hbm>>
        %dma_wait3A_639 = arith.constant 0 : i32
        %dma_wait3A_640 = arith.constant 0 : i32
        %dma_wait3A_641 = arith.constant 0 : i32
        %dma_wait3A_642 = tpu.memref_slice %arg7[%dma_wait3A_627, %dma_wait3A_639, %dma_wait3A_640, %dma_wait3A_641] : memref<2x8x50x64xf32, #tpu.memory_space<vmem>> -> memref<1x8x50x64xf32, #tpu.memory_space<vmem>>
        %dma_wait3A_643 = tpu.memref_squeeze %dma_wait3A_642 : memref<1x8x50x64xf32, #tpu.memory_space<vmem>> -> memref<8x50x64xf32, #tpu.memory_space<vmem>>
        tpu.wait_dma2 semaphore(%arg13 : memref<!tpu.dma_semaphore, #tpu.memory_space<semaphore_mem>>) src(%dma_wait3A_643 : memref<8x50x64xf32, #tpu.memory_space<vmem>>) dst(%dma_wait3A_638 : memref<8x50x64xf32, #tpu.memory_space<hbm>>)
      } else {
      }
      %dma_start3A_374 = arith.constant 1 : i32
      %dma_start3A_375 = arith.constant 0 : i32
      %dma_start3A_376 = arith.constant 1 : i32
      %dma_start3A_377 = arith.constant 0 : i32
      %dma_start3A_378 = arith.constant 0 : i32
      %dma_start3A_379 = arith.constant 0 : i32
      %dma_start3A_380 = tpu.memref_slice %arg7[%dma_start3A_376, %dma_start3A_377, %dma_start3A_378, %dma_start3A_379] : memref<2x8x50x64xf32, #tpu.memory_space<vmem>> -> memref<1x1x50x64xf32, #tpu.memory_space<vmem>>
      %dma_start3A_381 = tpu.memref_squeeze %dma_start3A_380 : memref<1x1x50x64xf32, #tpu.memory_space<vmem>> -> memref<50x64xf32, #tpu.memory_space<vmem>>
      %dma_start3A_382 = arith.constant 0 : i32
      %dma_start3A_383 = tpu.memref_slice %arg6[%dma_start3A_374, %dma_start3A_375, %dma_start3A_382] : memref<2x8x50xi32, #tpu.memory_space<vmem>> -> memref<1x1x50xi32, #tpu.memory_space<vmem>>
      %dma_start3A_384 = tpu.memref_squeeze %dma_start3A_383 : memref<1x1x50xi32, #tpu.memory_space<vmem>> -> memref<50xi32, #tpu.memory_space<vmem>>
      %dma_start3A_385 = arith.constant 0 : i32
      %dma_start3A_386 = arith.constant 0 : i32
      %dma_start3A_387 = tpu.memref_slice %arg5[%dma_start3A_385, %dma_start3A_386] : memref<60x64xf32, #tpu.memory_space<vmem_shared>> -> memref<60x64xf32, #tpu.memory_space<vmem_shared>>
      tpu.enqueue_indirect_dma source(%dma_start3A_387 : memref<60x64xf32, #tpu.memory_space<vmem_shared>>) target(%dma_start3A_381 : memref<50x64xf32, #tpu.memory_space<vmem>>) offsets(%dma_start3A_384 : memref<50xi32, #tpu.memory_space<vmem>>) semaphore(%arg11 : memref<!tpu.dma_semaphore, #tpu.memory_space<semaphore_mem>>)
      %dma_start3A_388 = arith.constant 1 : i32
      %dma_start3A_389 = arith.constant 1 : i32
      %dma_start3A_390 = arith.constant 1 : i32
      %dma_start3A_391 = arith.constant 1 : i32
      %dma_start3A_392 = arith.constant 0 : i32
      %dma_start3A_393 = arith.constant 0 : i32
      %dma_start3A_394 = tpu.memref_slice %arg7[%dma_start3A_390, %dma_start3A_391, %dma_start3A_392, %dma_start3A_393] : memref<2x8x50x64xf32, #tpu.memory_space<vmem>> -> memref<1x1x50x64xf32, #tpu.memory_space<vmem>>
      %dma_start3A_395 = tpu.memref_squeeze %dma_start3A_394 : memref<1x1x50x64xf32, #tpu.memory_space<vmem>> -> memref<50x64xf32, #tpu.memory_space<vmem>>
      %dma_start3A_396 = arith.constant 0 : i32
      %dma_start3A_397 = tpu.memref_slice %arg6[%dma_start3A_388, %dma_start3A_389, %dma_start3A_396] : memref<2x8x50xi32, #tpu.memory_space<vmem>> -> memref<1x1x50xi32, #tpu.memory_space<vmem>>
      %dma_start3A_398 = tpu.memref_squeeze %dma_start3A_397 : memref<1x1x50xi32, #tpu.memory_space<vmem>> -> memref<50xi32, #tpu.memory_space<vmem>>
      %dma_start3A_399 = arith.constant 0 : i32
      %dma_start3A_400 = arith.constant 0 : i32
      %dma_start3A_401 = tpu.memref_slice %arg5[%dma_start3A_399, %dma_start3A_400] : memref<60x64xf32, #tpu.memory_space<vmem_shared>> -> memref<60x64xf32, #tpu.memory_space<vmem_shared>>
      tpu.enqueue_indirect_dma source(%dma_start3A_401 : memref<60x64xf32, #tpu.memory_space<vmem_shared>>) target(%dma_start3A_395 : memref<50x64xf32, #tpu.memory_space<vmem>>) offsets(%dma_start3A_398 : memref<50xi32, #tpu.memory_space<vmem>>) semaphore(%arg11 : memref<!tpu.dma_semaphore, #tpu.memory_space<semaphore_mem>>)
      %dma_start3A_402 = arith.constant 1 : i32
      %dma_start3A_403 = arith.constant 2 : i32
      %dma_start3A_404 = arith.constant 1 : i32
      %dma_start3A_405 = arith.constant 2 : i32
      %dma_start3A_406 = arith.constant 0 : i32
      %dma_start3A_407 = arith.constant 0 : i32
      %dma_start3A_408 = tpu.memref_slice %arg7[%dma_start3A_404, %dma_start3A_405, %dma_start3A_406, %dma_start3A_407] : memref<2x8x50x64xf32, #tpu.memory_space<vmem>> -> memref<1x1x50x64xf32, #tpu.memory_space<vmem>>
      %dma_start3A_409 = tpu.memref_squeeze %dma_start3A_408 : memref<1x1x50x64xf32, #tpu.memory_space<vmem>> -> memref<50x64xf32, #tpu.memory_space<vmem>>
      %dma_start3A_410 = arith.constant 0 : i32
      %dma_start3A_411 = tpu.memref_slice %arg6[%dma_start3A_402, %dma_start3A_403, %dma_start3A_410] : memref<2x8x50xi32, #tpu.memory_space<vmem>> -> memref<1x1x50xi32, #tpu.memory_space<vmem>>
      %dma_start3A_412 = tpu.memref_squeeze %dma_start3A_411 : memref<1x1x50xi32, #tpu.memory_space<vmem>> -> memref<50xi32, #tpu.memory_space<vmem>>
      %dma_start3A_413 = arith.constant 0 : i32
      %dma_start3A_414 = arith.constant 0 : i32
      %dma_start3A_415 = tpu.memref_slice %arg5[%dma_start3A_413, %dma_start3A_414] : memref<60x64xf32, #tpu.memory_space<vmem_shared>> -> memref<60x64xf32, #tpu.memory_space<vmem_shared>>
      tpu.enqueue_indirect_dma source(%dma_start3A_415 : memref<60x64xf32, #tpu.memory_space<vmem_shared>>) target(%dma_start3A_409 : memref<50x64xf32, #tpu.memory_space<vmem>>) offsets(%dma_start3A_412 : memref<50xi32, #tpu.memory_space<vmem>>) semaphore(%arg11 : memref<!tpu.dma_semaphore, #tpu.memory_space<semaphore_mem>>)
      %dma_start3A_416 = arith.constant 1 : i32
      %dma_start3A_417 = arith.constant 3 : i32
      %dma_start3A_418 = arith.constant 1 : i32
      %dma_start3A_419 = arith.constant 3 : i32
      %dma_start3A_420 = arith.constant 0 : i32
      %dma_start3A_421 = arith.constant 0 : i32
      %dma_start3A_422 = tpu.memref_slice %arg7[%dma_start3A_418, %dma_start3A_419, %dma_start3A_420, %dma_start3A_421] : memref<2x8x50x64xf32, #tpu.memory_space<vmem>> -> memref<1x1x50x64xf32, #tpu.memory_space<vmem>>
      %dma_start3A_423 = tpu.memref_squeeze %dma_start3A_422 : memref<1x1x50x64xf32, #tpu.memory_space<vmem>> -> memref<50x64xf32, #tpu.memory_space<vmem>>
      %dma_start3A_424 = arith.constant 0 : i32
      %dma_start3A_425 = tpu.memref_slice %arg6[%dma_start3A_416, %dma_start3A_417, %dma_start3A_424] : memref<2x8x50xi32, #tpu.memory_space<vmem>> -> memref<1x1x50xi32, #tpu.memory_space<vmem>>
      %dma_start3A_426 = tpu.memref_squeeze %dma_start3A_425 : memref<1x1x50xi32, #tpu.memory_space<vmem>> -> memref<50xi32, #tpu.memory_space<vmem>>
      %dma_start3A_427 = arith.constant 0 : i32
      %dma_start3A_428 = arith.constant 0 : i32
      %dma_start3A_429 = tpu.memref_slice %arg5[%dma_start3A_427, %dma_start3A_428] : memref<60x64xf32, #tpu.memory_space<vmem_shared>> -> memref<60x64xf32, #tpu.memory_space<vmem_shared>>
      tpu.enqueue_indirect_dma source(%dma_start3A_429 : memref<60x64xf32, #tpu.memory_space<vmem_shared>>) target(%dma_start3A_423 : memref<50x64xf32, #tpu.memory_space<vmem>>) offsets(%dma_start3A_426 : memref<50xi32, #tpu.memory_space<vmem>>) semaphore(%arg11 : memref<!tpu.dma_semaphore, #tpu.memory_space<semaphore_mem>>)
      %dma_start3A_430 = arith.constant 1 : i32
      %dma_start3A_431 = arith.constant 4 : i32
      %dma_start3A_432 = arith.constant 1 : i32
      %dma_start3A_433 = arith.constant 4 : i32
      %dma_start3A_434 = arith.constant 0 : i32
      %dma_start3A_435 = arith.constant 0 : i32
      %dma_start3A_436 = tpu.memref_slice %arg7[%dma_start3A_432, %dma_start3A_433, %dma_start3A_434, %dma_start3A_435] : memref<2x8x50x64xf32, #tpu.memory_space<vmem>> -> memref<1x1x50x64xf32, #tpu.memory_space<vmem>>
      %dma_start3A_437 = tpu.memref_squeeze %dma_start3A_436 : memref<1x1x50x64xf32, #tpu.memory_space<vmem>> -> memref<50x64xf32, #tpu.memory_space<vmem>>
      %dma_start3A_438 = arith.constant 0 : i32
      %dma_start3A_439 = tpu.memref_slice %arg6[%dma_start3A_430, %dma_start3A_431, %dma_start3A_438] : memref<2x8x50xi32, #tpu.memory_space<vmem>> -> memref<1x1x50xi32, #tpu.memory_space<vmem>>
      %dma_start3A_440 = tpu.memref_squeeze %dma_start3A_439 : memref<1x1x50xi32, #tpu.memory_space<vmem>> -> memref<50xi32, #tpu.memory_space<vmem>>
      %dma_start3A_441 = arith.constant 0 : i32
      %dma_start3A_442 = arith.constant 0 : i32
      %dma_start3A_443 = tpu.memref_slice %arg5[%dma_start3A_441, %dma_start3A_442] : memref<60x64xf32, #tpu.memory_space<vmem_shared>> -> memref<60x64xf32, #tpu.memory_space<vmem_shared>>
      tpu.enqueue_indirect_dma source(%dma_start3A_443 : memref<60x64xf32, #tpu.memory_space<vmem_shared>>) target(%dma_start3A_437 : memref<50x64xf32, #tpu.memory_space<vmem>>) offsets(%dma_start3A_440 : memref<50xi32, #tpu.memory_space<vmem>>) semaphore(%arg11 : memref<!tpu.dma_semaphore, #tpu.memory_space<semaphore_mem>>)
      %dma_start3A_444 = arith.constant 1 : i32
      %dma_start3A_445 = arith.constant 5 : i32
      %dma_start3A_446 = arith.constant 1 : i32
      %dma_start3A_447 = arith.constant 5 : i32
      %dma_start3A_448 = arith.constant 0 : i32
      %dma_start3A_449 = arith.constant 0 : i32
      %dma_start3A_450 = tpu.memref_slice %arg7[%dma_start3A_446, %dma_start3A_447, %dma_start3A_448, %dma_start3A_449] : memref<2x8x50x64xf32, #tpu.memory_space<vmem>> -> memref<1x1x50x64xf32, #tpu.memory_space<vmem>>
      %dma_start3A_451 = tpu.memref_squeeze %dma_start3A_450 : memref<1x1x50x64xf32, #tpu.memory_space<vmem>> -> memref<50x64xf32, #tpu.memory_space<vmem>>
      %dma_start3A_452 = arith.constant 0 : i32
      %dma_start3A_453 = tpu.memref_slice %arg6[%dma_start3A_444, %dma_start3A_445, %dma_start3A_452] : memref<2x8x50xi32, #tpu.memory_space<vmem>> -> memref<1x1x50xi32, #tpu.memory_space<vmem>>
      %dma_start3A_454 = tpu.memref_squeeze %dma_start3A_453 : memref<1x1x50xi32, #tpu.memory_space<vmem>> -> memref<50xi32, #tpu.memory_space<vmem>>
      %dma_start3A_455 = arith.constant 0 : i32
      %dma_start3A_456 = arith.constant 0 : i32
      %dma_start3A_457 = tpu.memref_slice %arg5[%dma_start3A_455, %dma_start3A_456] : memref<60x64xf32, #tpu.memory_space<vmem_shared>> -> memref<60x64xf32, #tpu.memory_space<vmem_shared>>
      tpu.enqueue_indirect_dma source(%dma_start3A_457 : memref<60x64xf32, #tpu.memory_space<vmem_shared>>) target(%dma_start3A_451 : memref<50x64xf32, #tpu.memory_space<vmem>>) offsets(%dma_start3A_454 : memref<50xi32, #tpu.memory_space<vmem>>) semaphore(%arg11 : memref<!tpu.dma_semaphore, #tpu.memory_space<semaphore_mem>>)
      %dma_start3A_458 = arith.constant 1 : i32
      %dma_start3A_459 = arith.constant 6 : i32
      %dma_start3A_460 = arith.constant 1 : i32
      %dma_start3A_461 = arith.constant 6 : i32
      %dma_start3A_462 = arith.constant 0 : i32
      %dma_start3A_463 = arith.constant 0 : i32
      %dma_start3A_464 = tpu.memref_slice %arg7[%dma_start3A_460, %dma_start3A_461, %dma_start3A_462, %dma_start3A_463] : memref<2x8x50x64xf32, #tpu.memory_space<vmem>> -> memref<1x1x50x64xf32, #tpu.memory_space<vmem>>
      %dma_start3A_465 = tpu.memref_squeeze %dma_start3A_464 : memref<1x1x50x64xf32, #tpu.memory_space<vmem>> -> memref<50x64xf32, #tpu.memory_space<vmem>>
      %dma_start3A_466 = arith.constant 0 : i32
      %dma_start3A_467 = tpu.memref_slice %arg6[%dma_start3A_458, %dma_start3A_459, %dma_start3A_466] : memref<2x8x50xi32, #tpu.memory_space<vmem>> -> memref<1x1x50xi32, #tpu.memory_space<vmem>>
      %dma_start3A_468 = tpu.memref_squeeze %dma_start3A_467 : memref<1x1x50xi32, #tpu.memory_space<vmem>> -> memref<50xi32, #tpu.memory_space<vmem>>
      %dma_start3A_469 = arith.constant 0 : i32
      %dma_start3A_470 = arith.constant 0 : i32
      %dma_start3A_471 = tpu.memref_slice %arg5[%dma_start3A_469, %dma_start3A_470] : memref<60x64xf32, #tpu.memory_space<vmem_shared>> -> memref<60x64xf32, #tpu.memory_space<vmem_shared>>
      tpu.enqueue_indirect_dma source(%dma_start3A_471 : memref<60x64xf32, #tpu.memory_space<vmem_shared>>) target(%dma_start3A_465 : memref<50x64xf32, #tpu.memory_space<vmem>>) offsets(%dma_start3A_468 : memref<50xi32, #tpu.memory_space<vmem>>) semaphore(%arg11 : memref<!tpu.dma_semaphore, #tpu.memory_space<semaphore_mem>>)
      %dma_start3A_472 = arith.constant 1 : i32
      %dma_start3A_473 = arith.constant 7 : i32
      %dma_start3A_474 = arith.constant 1 : i32
      %dma_start3A_475 = arith.constant 7 : i32
      %dma_start3A_476 = arith.constant 0 : i32
      %dma_start3A_477 = arith.constant 0 : i32
      %dma_start3A_478 = tpu.memref_slice %arg7[%dma_start3A_474, %dma_start3A_475, %dma_start3A_476, %dma_start3A_477] : memref<2x8x50x64xf32, #tpu.memory_space<vmem>> -> memref<1x1x50x64xf32, #tpu.memory_space<vmem>>
      %dma_start3A_479 = tpu.memref_squeeze %dma_start3A_478 : memref<1x1x50x64xf32, #tpu.memory_space<vmem>> -> memref<50x64xf32, #tpu.memory_space<vmem>>
      %dma_start3A_480 = arith.constant 0 : i32
      %dma_start3A_481 = tpu.memref_slice %arg6[%dma_start3A_472, %dma_start3A_473, %dma_start3A_480] : memref<2x8x50xi32, #tpu.memory_space<vmem>> -> memref<1x1x50xi32, #tpu.memory_space<vmem>>
      %dma_start3A_482 = tpu.memref_squeeze %dma_start3A_481 : memref<1x1x50xi32, #tpu.memory_space<vmem>> -> memref<50xi32, #tpu.memory_space<vmem>>
      %dma_start3A_483 = arith.constant 0 : i32
      %dma_start3A_484 = arith.constant 0 : i32
      %dma_start3A_485 = tpu.memref_slice %arg5[%dma_start3A_483, %dma_start3A_484] : memref<60x64xf32, #tpu.memory_space<vmem_shared>> -> memref<60x64xf32, #tpu.memory_space<vmem_shared>>
      tpu.enqueue_indirect_dma source(%dma_start3A_485 : memref<60x64xf32, #tpu.memory_space<vmem_shared>>) target(%dma_start3A_479 : memref<50x64xf32, #tpu.memory_space<vmem>>) offsets(%dma_start3A_482 : memref<50xi32, #tpu.memory_space<vmem>>) semaphore(%arg11 : memref<!tpu.dma_semaphore, #tpu.memory_space<semaphore_mem>>)
      %dma_wait3A_486 = arith.constant 1 : i32
      %dma_wait3A_487 = arith.constant 0 : i32
      %dma_wait3A_488 = arith.constant 1 : i32
      %dma_wait3A_489 = arith.constant 0 : i32
      %dma_wait3A_490 = arith.constant 0 : i32
      %dma_wait3A_491 = arith.constant 0 : i32
      %dma_wait3A_492 = tpu.memref_slice %arg7[%dma_wait3A_488, %dma_wait3A_489, %dma_wait3A_490, %dma_wait3A_491] : memref<2x8x50x64xf32, #tpu.memory_space<vmem>> -> memref<1x1x50x64xf32, #tpu.memory_space<vmem>>
      %dma_wait3A_493 = tpu.memref_squeeze %dma_wait3A_492 : memref<1x1x50x64xf32, #tpu.memory_space<vmem>> -> memref<50x64xf32, #tpu.memory_space<vmem>>
      %dma_wait3A_494 = arith.constant 0 : i32
      %dma_wait3A_495 = tpu.memref_slice %arg6[%dma_wait3A_486, %dma_wait3A_487, %dma_wait3A_494] : memref<2x8x50xi32, #tpu.memory_space<vmem>> -> memref<1x1x50xi32, #tpu.memory_space<vmem>>
      %dma_wait3A_496 = tpu.memref_squeeze %dma_wait3A_495 : memref<1x1x50xi32, #tpu.memory_space<vmem>> -> memref<50xi32, #tpu.memory_space<vmem>>
      %dma_wait3A_497 = arith.constant 0 : i32
      %dma_wait3A_498 = arith.constant 0 : i32
      %dma_wait3A_499 = tpu.memref_slice %arg5[%dma_wait3A_497, %dma_wait3A_498] : memref<60x64xf32, #tpu.memory_space<vmem_shared>> -> memref<60x64xf32, #tpu.memory_space<vmem_shared>>
      tpu.wait_indirect_dma semaphore(%arg11 : memref<!tpu.dma_semaphore, #tpu.memory_space<semaphore_mem>>) src(%dma_wait3A_499 : memref<60x64xf32, #tpu.memory_space<vmem_shared>>) dst(%dma_wait3A_493 : memref<50x64xf32, #tpu.memory_space<vmem>>)
      %dma_wait3A_500 = arith.constant 1 : i32
      %dma_wait3A_501 = arith.constant 1 : i32
      %dma_wait3A_502 = arith.constant 1 : i32
      %dma_wait3A_503 = arith.constant 1 : i32
      %dma_wait3A_504 = arith.constant 0 : i32
      %dma_wait3A_505 = arith.constant 0 : i32
      %dma_wait3A_506 = tpu.memref_slice %arg7[%dma_wait3A_502, %dma_wait3A_503, %dma_wait3A_504, %dma_wait3A_505] : memref<2x8x50x64xf32, #tpu.memory_space<vmem>> -> memref<1x1x50x64xf32, #tpu.memory_space<vmem>>
      %dma_wait3A_507 = tpu.memref_squeeze %dma_wait3A_506 : memref<1x1x50x64xf32, #tpu.memory_space<vmem>> -> memref<50x64xf32, #tpu.memory_space<vmem>>
      %dma_wait3A_508 = arith.constant 0 : i32
      %dma_wait3A_509 = tpu.memref_slice %arg6[%dma_wait3A_500, %dma_wait3A_501, %dma_wait3A_508] : memref<2x8x50xi32, #tpu.memory_space<vmem>> -> memref<1x1x50xi32, #tpu.memory_space<vmem>>
      %dma_wait3A_510 = tpu.memref_squeeze %dma_wait3A_509 : memref<1x1x50xi32, #tpu.memory_space<vmem>> -> memref<50xi32, #tpu.memory_space<vmem>>
      %dma_wait3A_511 = arith.constant 0 : i32
      %dma_wait3A_512 = arith.constant 0 : i32
      %dma_wait3A_513 = tpu.memref_slice %arg5[%dma_wait3A_511, %dma_wait3A_512] : memref<60x64xf32, #tpu.memory_space<vmem_shared>> -> memref<60x64xf32, #tpu.memory_space<vmem_shared>>
      tpu.wait_indirect_dma semaphore(%arg11 : memref<!tpu.dma_semaphore, #tpu.memory_space<semaphore_mem>>) src(%dma_wait3A_513 : memref<60x64xf32, #tpu.memory_space<vmem_shared>>) dst(%dma_wait3A_507 : memref<50x64xf32, #tpu.memory_space<vmem>>)
      %dma_wait3A_514 = arith.constant 1 : i32
      %dma_wait3A_515 = arith.constant 2 : i32
      %dma_wait3A_516 = arith.constant 1 : i32
      %dma_wait3A_517 = arith.constant 2 : i32
      %dma_wait3A_518 = arith.constant 0 : i32
      %dma_wait3A_519 = arith.constant 0 : i32
      %dma_wait3A_520 = tpu.memref_slice %arg7[%dma_wait3A_516, %dma_wait3A_517, %dma_wait3A_518, %dma_wait3A_519] : memref<2x8x50x64xf32, #tpu.memory_space<vmem>> -> memref<1x1x50x64xf32, #tpu.memory_space<vmem>>
      %dma_wait3A_521 = tpu.memref_squeeze %dma_wait3A_520 : memref<1x1x50x64xf32, #tpu.memory_space<vmem>> -> memref<50x64xf32, #tpu.memory_space<vmem>>
      %dma_wait3A_522 = arith.constant 0 : i32
      %dma_wait3A_523 = tpu.memref_slice %arg6[%dma_wait3A_514, %dma_wait3A_515, %dma_wait3A_522] : memref<2x8x50xi32, #tpu.memory_space<vmem>> -> memref<1x1x50xi32, #tpu.memory_space<vmem>>
      %dma_wait3A_524 = tpu.memref_squeeze %dma_wait3A_523 : memref<1x1x50xi32, #tpu.memory_space<vmem>> -> memref<50xi32, #tpu.memory_space<vmem>>
      %dma_wait3A_525 = arith.constant 0 : i32
      %dma_wait3A_526 = arith.constant 0 : i32
      %dma_wait3A_527 = tpu.memref_slice %arg5[%dma_wait3A_525, %dma_wait3A_526] : memref<60x64xf32, #tpu.memory_space<vmem_shared>> -> memref<60x64xf32, #tpu.memory_space<vmem_shared>>
      tpu.wait_indirect_dma semaphore(%arg11 : memref<!tpu.dma_semaphore, #tpu.memory_space<semaphore_mem>>) src(%dma_wait3A_527 : memref<60x64xf32, #tpu.memory_space<vmem_shared>>) dst(%dma_wait3A_521 : memref<50x64xf32, #tpu.memory_space<vmem>>)
      %dma_wait3A_528 = arith.constant 1 : i32
      %dma_wait3A_529 = arith.constant 3 : i32
      %dma_wait3A_530 = arith.constant 1 : i32
      %dma_wait3A_531 = arith.constant 3 : i32
      %dma_wait3A_532 = arith.constant 0 : i32
      %dma_wait3A_533 = arith.constant 0 : i32
      %dma_wait3A_534 = tpu.memref_slice %arg7[%dma_wait3A_530, %dma_wait3A_531, %dma_wait3A_532, %dma_wait3A_533] : memref<2x8x50x64xf32, #tpu.memory_space<vmem>> -> memref<1x1x50x64xf32, #tpu.memory_space<vmem>>
      %dma_wait3A_535 = tpu.memref_squeeze %dma_wait3A_534 : memref<1x1x50x64xf32, #tpu.memory_space<vmem>> -> memref<50x64xf32, #tpu.memory_space<vmem>>
      %dma_wait3A_536 = arith.constant 0 : i32
      %dma_wait3A_537 = tpu.memref_slice %arg6[%dma_wait3A_528, %dma_wait3A_529, %dma_wait3A_536] : memref<2x8x50xi32, #tpu.memory_space<vmem>> -> memref<1x1x50xi32, #tpu.memory_space<vmem>>
      %dma_wait3A_538 = tpu.memref_squeeze %dma_wait3A_537 : memref<1x1x50xi32, #tpu.memory_space<vmem>> -> memref<50xi32, #tpu.memory_space<vmem>>
      %dma_wait3A_539 = arith.constant 0 : i32
      %dma_wait3A_540 = arith.constant 0 : i32
      %dma_wait3A_541 = tpu.memref_slice %arg5[%dma_wait3A_539, %dma_wait3A_540] : memref<60x64xf32, #tpu.memory_space<vmem_shared>> -> memref<60x64xf32, #tpu.memory_space<vmem_shared>>
      tpu.wait_indirect_dma semaphore(%arg11 : memref<!tpu.dma_semaphore, #tpu.memory_space<semaphore_mem>>) src(%dma_wait3A_541 : memref<60x64xf32, #tpu.memory_space<vmem_shared>>) dst(%dma_wait3A_535 : memref<50x64xf32, #tpu.memory_space<vmem>>)
      %dma_wait3A_542 = arith.constant 1 : i32
      %dma_wait3A_543 = arith.constant 4 : i32
      %dma_wait3A_544 = arith.constant 1 : i32
      %dma_wait3A_545 = arith.constant 4 : i32
      %dma_wait3A_546 = arith.constant 0 : i32
      %dma_wait3A_547 = arith.constant 0 : i32
      %dma_wait3A_548 = tpu.memref_slice %arg7[%dma_wait3A_544, %dma_wait3A_545, %dma_wait3A_546, %dma_wait3A_547] : memref<2x8x50x64xf32, #tpu.memory_space<vmem>> -> memref<1x1x50x64xf32, #tpu.memory_space<vmem>>
      %dma_wait3A_549 = tpu.memref_squeeze %dma_wait3A_548 : memref<1x1x50x64xf32, #tpu.memory_space<vmem>> -> memref<50x64xf32, #tpu.memory_space<vmem>>
      %dma_wait3A_550 = arith.constant 0 : i32
      %dma_wait3A_551 = tpu.memref_slice %arg6[%dma_wait3A_542, %dma_wait3A_543, %dma_wait3A_550] : memref<2x8x50xi32, #tpu.memory_space<vmem>> -> memref<1x1x50xi32, #tpu.memory_space<vmem>>
      %dma_wait3A_552 = tpu.memref_squeeze %dma_wait3A_551 : memref<1x1x50xi32, #tpu.memory_space<vmem>> -> memref<50xi32, #tpu.memory_space<vmem>>
      %dma_wait3A_553 = arith.constant 0 : i32
      %dma_wait3A_554 = arith.constant 0 : i32
      %dma_wait3A_555 = tpu.memref_slice %arg5[%dma_wait3A_553, %dma_wait3A_554] : memref<60x64xf32, #tpu.memory_space<vmem_shared>> -> memref<60x64xf32, #tpu.memory_space<vmem_shared>>
      tpu.wait_indirect_dma semaphore(%arg11 : memref<!tpu.dma_semaphore, #tpu.memory_space<semaphore_mem>>) src(%dma_wait3A_555 : memref<60x64xf32, #tpu.memory_space<vmem_shared>>) dst(%dma_wait3A_549 : memref<50x64xf32, #tpu.memory_space<vmem>>)
      %dma_wait3A_556 = arith.constant 1 : i32
      %dma_wait3A_557 = arith.constant 5 : i32
      %dma_wait3A_558 = arith.constant 1 : i32
      %dma_wait3A_559 = arith.constant 5 : i32
      %dma_wait3A_560 = arith.constant 0 : i32
      %dma_wait3A_561 = arith.constant 0 : i32
      %dma_wait3A_562 = tpu.memref_slice %arg7[%dma_wait3A_558, %dma_wait3A_559, %dma_wait3A_560, %dma_wait3A_561] : memref<2x8x50x64xf32, #tpu.memory_space<vmem>> -> memref<1x1x50x64xf32, #tpu.memory_space<vmem>>
      %dma_wait3A_563 = tpu.memref_squeeze %dma_wait3A_562 : memref<1x1x50x64xf32, #tpu.memory_space<vmem>> -> memref<50x64xf32, #tpu.memory_space<vmem>>
      %dma_wait3A_564 = arith.constant 0 : i32
      %dma_wait3A_565 = tpu.memref_slice %arg6[%dma_wait3A_556, %dma_wait3A_557, %dma_wait3A_564] : memref<2x8x50xi32, #tpu.memory_space<vmem>> -> memref<1x1x50xi32, #tpu.memory_space<vmem>>
      %dma_wait3A_566 = tpu.memref_squeeze %dma_wait3A_565 : memref<1x1x50xi32, #tpu.memory_space<vmem>> -> memref<50xi32, #tpu.memory_space<vmem>>
      %dma_wait3A_567 = arith.constant 0 : i32
      %dma_wait3A_568 = arith.constant 0 : i32
      %dma_wait3A_569 = tpu.memref_slice %arg5[%dma_wait3A_567, %dma_wait3A_568] : memref<60x64xf32, #tpu.memory_space<vmem_shared>> -> memref<60x64xf32, #tpu.memory_space<vmem_shared>>
      tpu.wait_indirect_dma semaphore(%arg11 : memref<!tpu.dma_semaphore, #tpu.memory_space<semaphore_mem>>) src(%dma_wait3A_569 : memref<60x64xf32, #tpu.memory_space<vmem_shared>>) dst(%dma_wait3A_563 : memref<50x64xf32, #tpu.memory_space<vmem>>)
      %dma_wait3A_570 = arith.constant 1 : i32
      %dma_wait3A_571 = arith.constant 6 : i32
      %dma_wait3A_572 = arith.constant 1 : i32
      %dma_wait3A_573 = arith.constant 6 : i32
      %dma_wait3A_574 = arith.constant 0 : i32
      %dma_wait3A_575 = arith.constant 0 : i32
      %dma_wait3A_576 = tpu.memref_slice %arg7[%dma_wait3A_572, %dma_wait3A_573, %dma_wait3A_574, %dma_wait3A_575] : memref<2x8x50x64xf32, #tpu.memory_space<vmem>> -> memref<1x1x50x64xf32, #tpu.memory_space<vmem>>
      %dma_wait3A_577 = tpu.memref_squeeze %dma_wait3A_576 : memref<1x1x50x64xf32, #tpu.memory_space<vmem>> -> memref<50x64xf32, #tpu.memory_space<vmem>>
      %dma_wait3A_578 = arith.constant 0 : i32
      %dma_wait3A_579 = tpu.memref_slice %arg6[%dma_wait3A_570, %dma_wait3A_571, %dma_wait3A_578] : memref<2x8x50xi32, #tpu.memory_space<vmem>> -> memref<1x1x50xi32, #tpu.memory_space<vmem>>
      %dma_wait3A_580 = tpu.memref_squeeze %dma_wait3A_579 : memref<1x1x50xi32, #tpu.memory_space<vmem>> -> memref<50xi32, #tpu.memory_space<vmem>>
      %dma_wait3A_581 = arith.constant 0 : i32
      %dma_wait3A_582 = arith.constant 0 : i32
      %dma_wait3A_583 = tpu.memref_slice %arg5[%dma_wait3A_581, %dma_wait3A_582] : memref<60x64xf32, #tpu.memory_space<vmem_shared>> -> memref<60x64xf32, #tpu.memory_space<vmem_shared>>
      tpu.wait_indirect_dma semaphore(%arg11 : memref<!tpu.dma_semaphore, #tpu.memory_space<semaphore_mem>>) src(%dma_wait3A_583 : memref<60x64xf32, #tpu.memory_space<vmem_shared>>) dst(%dma_wait3A_577 : memref<50x64xf32, #tpu.memory_space<vmem>>)
      %dma_wait3A_584 = arith.constant 1 : i32
      %dma_wait3A_585 = arith.constant 7 : i32
      %dma_wait3A_586 = arith.constant 1 : i32
      %dma_wait3A_587 = arith.constant 7 : i32
      %dma_wait3A_588 = arith.constant 0 : i32
      %dma_wait3A_589 = arith.constant 0 : i32
      %dma_wait3A_590 = tpu.memref_slice %arg7[%dma_wait3A_586, %dma_wait3A_587, %dma_wait3A_588, %dma_wait3A_589] : memref<2x8x50x64xf32, #tpu.memory_space<vmem>> -> memref<1x1x50x64xf32, #tpu.memory_space<vmem>>
      %dma_wait3A_591 = tpu.memref_squeeze %dma_wait3A_590 : memref<1x1x50x64xf32, #tpu.memory_space<vmem>> -> memref<50x64xf32, #tpu.memory_space<vmem>>
      %dma_wait3A_592 = arith.constant 0 : i32
      %dma_wait3A_593 = tpu.memref_slice %arg6[%dma_wait3A_584, %dma_wait3A_585, %dma_wait3A_592] : memref<2x8x50xi32, #tpu.memory_space<vmem>> -> memref<1x1x50xi32, #tpu.memory_space<vmem>>
      %dma_wait3A_594 = tpu.memref_squeeze %dma_wait3A_593 : memref<1x1x50xi32, #tpu.memory_space<vmem>> -> memref<50xi32, #tpu.memory_space<vmem>>
      %dma_wait3A_595 = arith.constant 0 : i32
      %dma_wait3A_596 = arith.constant 0 : i32
      %dma_wait3A_597 = tpu.memref_slice %arg5[%dma_wait3A_595, %dma_wait3A_596] : memref<60x64xf32, #tpu.memory_space<vmem_shared>> -> memref<60x64xf32, #tpu.memory_space<vmem_shared>>
      tpu.wait_indirect_dma semaphore(%arg11 : memref<!tpu.dma_semaphore, #tpu.memory_space<semaphore_mem>>) src(%dma_wait3A_597 : memref<60x64xf32, #tpu.memory_space<vmem_shared>>) dst(%dma_wait3A_591 : memref<50x64xf32, #tpu.memory_space<vmem>>)
      %mul3A_598 = arith.constant 8 : i32
      %mul3A_599 = arith.muli %add3A_352, %mul3A_598 : i32
      %add3A_600 = arith.addi %mul3A_2, %mul3A_599 : i32
      %dma_start3A_601 = arith.constant 1 : i32
      %dma_start3A_602 = arith.constant 0 : i32
      %dma_start3A_603 = arith.constant 0 : i32
      %dma_start3A_604 = arith.constant 0 : i32
      %dma_start3A_605 = tpu.memref_slice %arg7[%dma_start3A_601, %dma_start3A_602, %dma_start3A_603, %dma_start3A_604] : memref<2x8x50x64xf32, #tpu.memory_space<vmem>> -> memref<1x8x50x64xf32, #tpu.memory_space<vmem>>
      %dma_start3A_606 = tpu.memref_squeeze %dma_start3A_605 : memref<1x8x50x64xf32, #tpu.memory_space<vmem>> -> memref<8x50x64xf32, #tpu.memory_space<vmem>>
      %dma_start3A_607 = arith.constant 0 : i32
      %dma_start3A_608 = arith.constant 0 : i32
      %dma_start3A_609 = tpu.memref_slice %arg4[%add3A_600, %dma_start3A_607, %dma_start3A_608] : memref<16384x50x64xf32, #tpu.memory_space<hbm>> -> memref<8x50x64xf32, #tpu.memory_space<hbm>>
      %dma_start3A_610 = arith.constant 0 : i32
      %dma_start3A_611 = arith.constant 0 : i32
      %dma_start3A_612 = tpu.memref_slice %arg4[%add3A_600, %dma_start3A_610, %dma_start3A_611] : memref<16384x50x64xf32, #tpu.memory_space<hbm>> -> memref<8x50x64xf32, #tpu.memory_space<hbm>>
      %dma_start3A_613 = arith.constant 0 : i32
      %dma_start3A_614 = arith.constant 0 : i32
      %dma_start3A_615 = arith.constant 0 : i32
      %dma_start3A_616 = tpu.memref_slice %arg7[%dma_start3A_601, %dma_start3A_613, %dma_start3A_614, %dma_start3A_615] : memref<2x8x50x64xf32, #tpu.memory_space<vmem>> -> memref<1x8x50x64xf32, #tpu.memory_space<vmem>>
      %dma_start3A_617 = tpu.memref_squeeze %dma_start3A_616 : memref<1x8x50x64xf32, #tpu.memory_space<vmem>> -> memref<8x50x64xf32, #tpu.memory_space<vmem>>
      tpu.enqueue_dma source(%dma_start3A_617 : memref<8x50x64xf32, #tpu.memory_space<vmem>>) target(%dma_start3A_612 : memref<8x50x64xf32, #tpu.memory_space<hbm>>) target_semaphore(%arg13 : memref<!tpu.dma_semaphore, #tpu.memory_space<semaphore_mem>>)
      %lt3A_618 = arith.constant 31 : i32
      %lt3A_619 = arith.cmpi slt, %scan3A_76, %lt3A_618 : i32
      %convert_element_type3A_620 = arith.extui %lt3A_619 : i1 to i32
      %cond3A_621 = arith.constant 0 : i32
      %cond3A_622 = arith.cmpi ne, %convert_element_type3A_620, %cond3A_621 : i32
      scf.if %cond3A_622 {
        %add3A_623 = arith.constant 2 : i32
        %add3A_624 = arith.addi %add3A_352, %add3A_623 : i32
        %mul3A_625 = arith.constant 8 : i32
        %mul3A_626 = arith.muli %add3A_624, %mul3A_625 : i32
        %add3A_627 = arith.addi %mul3A_2, %mul3A_626 : i32
        %dma_start3A_628 = arith.constant 1 : i32
        %dma_start3A_629 = arith.constant 0 : i32
        %dma_start3A_630 = arith.constant 0 : i32
        %dma_start3A_631 = tpu.memref_slice %arg6[%dma_start3A_628, %dma_start3A_629, %dma_start3A_630] : memref<2x8x50xi32, #tpu.memory_space<vmem>> -> memref<1x8x50xi32, #tpu.memory_space<vmem>>
        %dma_start3A_632 = tpu.memref_squeeze %dma_start3A_631 : memref<1x8x50xi32, #tpu.memory_space<vmem>> -> memref<8x50xi32, #tpu.memory_space<vmem>>
        %dma_start3A_633 = arith.constant 0 : i32
        %dma_start3A_634 = tpu.memref_slice %arg2[%add3A_627, %dma_start3A_633] : memref<16384x50xi32, #tpu.memory_space<hbm>> -> memref<8x50xi32, #tpu.memory_space<hbm>>
        %dma_start3A_635 = arith.constant 0 : i32
        %dma_start3A_636 = arith.constant 0 : i32
        %dma_start3A_637 = tpu.memref_slice %arg6[%dma_start3A_628, %dma_start3A_635, %dma_start3A_636] : memref<2x8x50xi32, #tpu.memory_space<vmem>> -> memref<1x8x50xi32, #tpu.memory_space<vmem>>
        %dma_start3A_638 = tpu.memref_squeeze %dma_start3A_637 : memref<1x8x50xi32, #tpu.memory_space<vmem>> -> memref<8x50xi32, #tpu.memory_space<vmem>>
        %dma_start3A_639 = arith.constant 0 : i32
        %dma_start3A_640 = tpu.memref_slice %arg2[%add3A_627, %dma_start3A_639] : memref<16384x50xi32, #tpu.memory_space<hbm>> -> memref<8x50xi32, #tpu.memory_space<hbm>>
        tpu.enqueue_dma source(%dma_start3A_640 : memref<8x50xi32, #tpu.memory_space<hbm>>) target(%dma_start3A_638 : memref<8x50xi32, #tpu.memory_space<vmem>>) target_semaphore(%arg9 : memref<!tpu.dma_semaphore, #tpu.memory_space<semaphore_mem>>)
      } else {
      }
    }
    %scan3A_38 = arith.constant 32 : i32
    %add3A_39 = arith.constant 496 : i32
    %add3A_40 = arith.addi %mul3A_2, %add3A_39 : i32
    %dma_wait3A = arith.constant 0 : i32
    %dma_wait3A_41 = arith.constant 0 : i32
    %dma_wait3A_42 = arith.constant 0 : i32
    %dma_wait3A_43 = arith.constant 0 : i32
    %dma_wait3A_44 = tpu.memref_slice %arg7[%dma_wait3A, %dma_wait3A_41, %dma_wait3A_42, %dma_wait3A_43] : memref<2x8x50x64xf32, #tpu.memory_space<vmem>> -> memref<1x8x50x64xf32, #tpu.memory_space<vmem>>
    %dma_wait3A_45 = tpu.memref_squeeze %dma_wait3A_44 : memref<1x8x50x64xf32, #tpu.memory_space<vmem>> -> memref<8x50x64xf32, #tpu.memory_space<vmem>>
    %dma_wait3A_46 = arith.constant 0 : i32
    %dma_wait3A_47 = arith.constant 0 : i32
    %dma_wait3A_48 = tpu.memref_slice %arg4[%add3A_40, %dma_wait3A_46, %dma_wait3A_47] : memref<16384x50x64xf32, #tpu.memory_space<hbm>> -> memref<8x50x64xf32, #tpu.memory_space<hbm>>
    %dma_wait3A_49 = arith.constant 0 : i32
    %dma_wait3A_50 = arith.constant 0 : i32
    %dma_wait3A_51 = tpu.memref_slice %arg4[%add3A_40, %dma_wait3A_49, %dma_wait3A_50] : memref<16384x50x64xf32, #tpu.memory_space<hbm>> -> memref<8x50x64xf32, #tpu.memory_space<hbm>>
    %dma_wait3A_52 = arith.constant 0 : i32
    %dma_wait3A_53 = arith.constant 0 : i32
    %dma_wait3A_54 = arith.constant 0 : i32
    %dma_wait3A_55 = tpu.memref_slice %arg7[%dma_wait3A, %dma_wait3A_52, %dma_wait3A_53, %dma_wait3A_54] : memref<2x8x50x64xf32, #tpu.memory_space<vmem>> -> memref<1x8x50x64xf32, #tpu.memory_space<vmem>>
    %dma_wait3A_56 = tpu.memref_squeeze %dma_wait3A_55 : memref<1x8x50x64xf32, #tpu.memory_space<vmem>> -> memref<8x50x64xf32, #tpu.memory_space<vmem>>
    tpu.wait_dma2 semaphore(%arg12 : memref<!tpu.dma_semaphore, #tpu.memory_space<semaphore_mem>>) src(%dma_wait3A_56 : memref<8x50x64xf32, #tpu.memory_space<vmem>>) dst(%dma_wait3A_51 : memref<8x50x64xf32, #tpu.memory_space<hbm>>)
    %add3A_57 = arith.constant 504 : i32
    %add3A_58 = arith.addi %mul3A_2, %add3A_57 : i32
    %dma_wait3A_59 = arith.constant 1 : i32
    %dma_wait3A_60 = arith.constant 0 : i32
    %dma_wait3A_61 = arith.constant 0 : i32
    %dma_wait3A_62 = arith.constant 0 : i32
    %dma_wait3A_63 = tpu.memref_slice %arg7[%dma_wait3A_59, %dma_wait3A_60, %dma_wait3A_61, %dma_wait3A_62] : memref<2x8x50x64xf32, #tpu.memory_space<vmem>> -> memref<1x8x50x64xf32, #tpu.memory_space<vmem>>
    %dma_wait3A_64 = tpu.memref_squeeze %dma_wait3A_63 : memref<1x8x50x64xf32, #tpu.memory_space<vmem>> -> memref<8x50x64xf32, #tpu.memory_space<vmem>>
    %dma_wait3A_65 = arith.constant 0 : i32
    %dma_wait3A_66 = arith.constant 0 : i32
    %dma_wait3A_67 = tpu.memref_slice %arg4[%add3A_58, %dma_wait3A_65, %dma_wait3A_66] : memref<16384x50x64xf32, #tpu.memory_space<hbm>> -> memref<8x50x64xf32, #tpu.memory_space<hbm>>
    %dma_wait3A_68 = arith.constant 0 : i32
    %dma_wait3A_69 = arith.constant 0 : i32
    %dma_wait3A_70 = tpu.memref_slice %arg4[%add3A_58, %dma_wait3A_68, %dma_wait3A_69] : memref<16384x50x64xf32, #tpu.memory_space<hbm>> -> memref<8x50x64xf32, #tpu.memory_space<hbm>>
    %dma_wait3A_71 = arith.constant 0 : i32
    %dma_wait3A_72 = arith.constant 0 : i32
    %dma_wait3A_73 = arith.constant 0 : i32
    %dma_wait3A_74 = tpu.memref_slice %arg7[%dma_wait3A_59, %dma_wait3A_71, %dma_wait3A_72, %dma_wait3A_73] : memref<2x8x50x64xf32, #tpu.memory_space<vmem>> -> memref<1x8x50x64xf32, #tpu.memory_space<vmem>>
    %dma_wait3A_75 = tpu.memref_squeeze %dma_wait3A_74 : memref<1x8x50x64xf32, #tpu.memory_space<vmem>> -> memref<8x50x64xf32, #tpu.memory_space<vmem>>
    tpu.wait_dma2 semaphore(%arg13 : memref<!tpu.dma_semaphore, #tpu.memory_space<semaphore_mem>>) src(%dma_wait3A_75 : memref<8x50x64xf32, #tpu.memory_space<vmem>>) dst(%dma_wait3A_70 : memref<8x50x64xf32, #tpu.memory_space<hbm>>)
    return
  }
}

</mosaic_0001>

<sc_bundles>
// kernel: kernel.3.cloned.1.call-start
scs
__scs_entry_jumppad:
0x0: {  	(pc) =	sbr.rel $0x88, $3  }
0x1: {  	(tag) =	ssettag $0x0;
	lr =	simm.s32 $0x1  }
0x2: {  	[smem:$0x3F9F] =	sst lr;
	_ =	strace $0xD0000000  }
0x3: {  	_ = 	snop  }
0x4: {  	_ = 	snop  }
0x5: {  	_ = 	snop  }
0x6: {  	_ = 	snop  }
0x7: {  	_ = 	snop  }
__scs_overlays_trampoline_lowered:
0x8: {  	[smem:$0x3FAE] =	sst s0  }
0x9: {  	[smem:$0x3FAF] =	sst s1  }
0xa: {  	[smem:$0x3FB0] =	sst s2  }
0xb: {  	[smem:$0x3FB1] =	sst s3  }
0xc: {  	[smem:$0x3FB2] =	sst s4  }
0xd: {  	[smem:$0x3FB3] =	sst s5  }
0xe: {  	[smem:$0x3FB4] =	sst s6  }
0xf: {  	[smem:$0x3FB5] =	sst s7  }
0x10: {  	[smem:$0x3FB6] =	sst s8  }
0x11: {  	[smem:$0x3FB7] =	sst s9;
	s0 =	simm.s32 @!p0 $0x0  }
0x12: {  	s1 =	sld [smem:$0x3F9D];
	s0 =	simm.s32 @p0 $0x1  }
0x13: {  	[smem:$0x3FB8] =	sst s0;
	s0 =	simm.s32 @!p1 $0x0  }
0x14: {  	s2 =	sld [smem:$0x3F9C];
	s0 =	simm.s32 @p1 $0x1  }
0x15: {  	[smem:$0x3FB9] =	sst s0;
	s0 =	simm.s32 @!p2 $0x0  }
0x16: {  	s3 =	sld [smem:$0x3FDB];
	s0 =	simm.s32 @p2 $0x1  }
0x17: {  	s4 =	simm.s32 $0x1BF5;
	[smem:$0x3FBB] =	sst s0  }
0x18: {  	s0 =	sld [smem:$0x3F9E];
	_ =	swait.ge [sflag:s4], $0x0  }
0x19: {  	s7 =	sld [smem:$0x3F9F]  }
0x1a: {  	s8 =	sadd.s32 $0xFFFFE003, lr  }
0x1b: {  	s9 =	sadd.s32 $0xFFFFFEF7, lr;
	s5 =	simm.s32 $0xFFFFFFFF;
	p2 =	slt.u32 s8, $0xFFFFF086  }
0x1c: {  	p1 =	slt.u32 s9, $0xF7A;
	s5 =	simm.s32 @!p2 $0x0  }
0x1d: {  	s5 =	simm.s32 @p1 $0x1;
	p0 =	seq.s32 s7, s2  }
0x1e: {  	s7 =	smul.u32 @!p0 $0xF7A, s2;
	p2 =	seq.s32 @!p0 s5, $0x0  }
0x1f: {  	s9 =	smul.u32 $0xF7A, s1;
	s8 =	simm.s32 @!p0 $0x1BF5;
	p2 =	por !p2, p0  }
0x20: {  	[sflag:s8] =	ssyncset.s32 @!p0 $0xFFFFF086;
	s6 =	sadd.s32 @!p0 s3, s7;
	s7 =	simm.s32 @!p0 $0x108  }
0x21: {  	s3 =	sadd.s32 s3, s9;
	s6 =	sadd.s32 @!p0 $0x88, s6;
	s7 =	simm.s32 @p2 $0x1082  }
0x22: {  	[simem:s7], [sflag:s8] =	dma.local @!p0 [hbm:s6], $0xF7A  }
0x23: {  	s9 =	sor.u32 $0xD0000000, s2;
	s6 =	simm.s32 $0x108;
	_ =	swait.ge @!p0 [sflag:s8], $0x0  }
0x24: {  	s3 =	sadd.s32 $0x88, s3;
	s6 =	simm.s32 @!p1 $0x1082;
	[sflag:s4] =	ssyncset.s32 $0xFFFFF086  }
0x25: {  	[simem:s6], [sflag:s4] =	dma.local [hbm:s3], $0xF7A  }
0x26: {  	[smem:$0x3F9F] =	sst s1;
	(tag) =	ssettag s2;
	_ =	strace s9  }
0x27: {  	s1 =	sld [smem:$0x3FAF]  }
0x28: {  	s2 =	sld [smem:$0x3FB0]  }
0x29: {  	s4 =	sld [smem:$0x3FB2]  }
0x2a: {  	p0 =	seq.s32 s5, $0x0;
	s5 =	sld [smem:$0x3FB3]  }
0x2b: {  	s6 =	sld [smem:$0x3FB4]  }
0x2c: {  	s7 =	sld [smem:$0x3FB5]  }
0x2d: {  	s3 =	simm.s32 $0x108;
	s8 =	sld [smem:$0x3FB6]  }
0x2e: {  	s3 =	simm.s32 @!p0 $0x1082;
	s9 =	sld [smem:$0x3FB7]  }
0x2f: {  	lr =	sadd.s32 s0, s3;
	s0 =	sld [smem:$0x3FAE]  }
0x30: {  	s3 =	sld [smem:$0x3FB1]  }
0x31: {  	[smem:$0x3FBA] =	sst s10  }
0x32: {  	s10 =	sld [smem:$0x3FB8];
	_ =	sdelay $0x3  }
0x33: {  	p0 =	seq.s32 s10, $0x1;
	s10 =	sld [smem:$0x3FBA];
	_ =	sdelay $0x3  }
0x34: {  	[smem:$0x3FBA] =	sst s10  }
0x35: {  	s10 =	sld [smem:$0x3FB9];
	_ =	sdelay $0x3  }
0x36: {  	p1 =	seq.s32 s10, $0x1;
	s10 =	sld [smem:$0x3FBA];
	_ =	sdelay $0x3  }
0x37: {  	[smem:$0x3FBA] =	sst s10  }
0x38: {  	s10 =	sld [smem:$0x3FBB]  }
0x39: {  	_ = 	snop;
	(pc) =	sbr.ind lr, $3  }
0x3a: {  	_ = 	snop  }
0x3b: {  	_ = 	snop  }
0x3c: {  	p2 =	seq.s32 s10, $0x1;
	s10 =	sld [smem:$0x3FBA]  }
0x3d: {  	_ =	shalt  }
0x3e: {  	_ =	shalt  }
0x3f: {  	_ =	shalt  }
0x40: {  	_ =	shalt  }
0x41: {  	_ =	shalt  }
0x42: {  	_ =	shalt  }
0x43: {  	_ =	shalt  }
0x44: {  	_ =	shalt  }
0x45: {  	_ =	shalt  }
0x46: {  	_ =	shalt  }
0x47: {  	_ =	shalt  }
0x48: {  	_ =	shalt  }
0x49: {  	_ =	shalt  }
0x4a: {  	_ =	shalt  }
0x4b: {  	_ =	shalt  }
0x4c: {  	_ =	shalt  }
0x4d: {  	_ =	shalt  }
0x4e: {  	_ =	shalt  }
0x4f: {  	_ =	shalt  }
0x50: {  	_ =	shalt  }
0x51: {  	_ =	shalt  }
0x52: {  	_ =	shalt  }
0x53: {  	_ =	shalt  }
0x54: {  	_ =	shalt  }
0x55: {  	_ =	shalt  }
0x56: {  	_ =	shalt  }
0x57: {  	_ =	shalt  }
0x58: {  	_ =	shalt  }
0x59: {  	_ =	shalt  }
0x5a: {  	_ =	shalt  }
0x5b: {  	_ =	shalt  }
0x5c: {  	_ =	shalt  }
0x5d: {  	_ =	shalt  }
0x5e: {  	_ =	shalt  }
0x5f: {  	_ =	shalt  }
0x60: {  	_ =	shalt  }
0x61: {  	_ =	shalt  }
0x62: {  	_ =	shalt  }
0x63: {  	_ =	shalt  }
0x64: {  	_ =	shalt  }
0x65: {  	_ =	shalt  }
0x66: {  	_ =	shalt  }
0x67: {  	_ =	shalt  }
0x68: {  	_ =	shalt  }
0x69: {  	_ =	shalt  }
0x6a: {  	_ =	shalt  }
0x6b: {  	_ =	shalt  }
0x6c: {  	_ =	shalt  }
0x6d: {  	_ =	shalt  }
0x6e: {  	_ =	shalt  }
0x6f: {  	_ =	shalt  }
0x70: {  	_ =	shalt  }
0x71: {  	_ =	shalt  }
0x72: {  	_ =	shalt  }
0x73: {  	_ =	shalt  }
0x74: {  	_ =	shalt  }
0x75: {  	_ =	shalt  }
0x76: {  	_ =	shalt  }
0x77: {  	_ =	shalt  }
0x78: {  	_ =	shalt  }
0x79: {  	_ =	shalt  }
0x7a: {  	_ =	shalt  }
0x7b: {  	_ =	shalt  }
0x7c: {  	_ =	shalt  }
0x7d: {  	_ =	shalt  }
0x7e: {  	_ =	shalt  }
0x7f: {  	_ =	shalt  }
0x80: {  	_ =	shalt  }
0x81: {  	_ =	shalt  }
0x82: {  	_ =	shalt  }
0x83: {  	_ =	shalt  }
0x84: {  	_ =	shalt  }
0x85: {  	_ =	shalt  }
0x86: {  	_ =	shalt  }
0x87: {  	_ =	shalt  }
.Lfunc_end0:
.L_simem_size_0:
called_computation.1_lowered:
.L_overlay_start_0:
0x88: {  	s2 =	sld [smem:$0x3FD9]  }
0x89: {  	s3 =	sld [smem:$0x3FFE];
	_ =	sdelay $0x1  }
0x8a: {  	s1 =	srdreg.scid  }
0x8b: {  	s0 =	sand.u32 $0x1, s1  }
0x8c: {  	s17 =	sshll.u32 s0, $0xA;
	s2 =	sadd.s32 s3, s2  }
0x8d: {  	s2 =	sadd.s32 s2, s17  }
0x8e: {  	[smem:$0x3FC6] =	sst s2  }
0x8f: {  	_ = 	snop  }
0x90: {  	s2 =	sld [smem:$0x3FD0];
	(tm) =	ssettm $0x1  }
0x91: {  	s18 =	sld [smem:$0x3FFB];
	_ =	sdelay $0x3  }
0x92: {  	_ =	strace s18  }
0x93: {  	s3 =	sld [smem:$0x3FFC];
	_ =	sdelay $0x3  }
0x94: {  	_ =	strace s3  }
0x95: {  	s3 =	sld [smem:$0x3FFD];
	_ =	sdelay $0x3  }
0x96: {  	_ =	strace s3  }
0x97: {  	_ =	strace $0x8FFFFFFF  }
0x98: {  	s19 =	sld [smem:$0x3FDB];
	_ =	sdelay $0x1  }
0x99: {  	s4 =	simm.s32 $_scs_section_size  }
0x9a: {  	s5 =	simm.s32 $_size__tile_overlayer_lowered;
	s6 =	simm.s32 $_tile_overlayer_lowered  }
0x9b: {  	s22 =	simm.s32 $0x1BFF;
	s21 =	sshll.u32 s6, $0x1;
	s3 =	sadd.s32 s4, s19  }
0x9c: {  	s7 =	simm.s32 $0x0;
	s20 =	sshll.u32 s5, $0x1;
	s5 =	sadd.s32 s21, s3  }
0x9d: {  	[timem:s7], [sflag:s22] =	dma.local [hbm:s5], s20  }
0x9e: {  	_ =	swait.ge [sflag:s22], s20  }
0x9f: {  	s4 =	ssub.s32 $0x0, s20;
	[sflag:s22] =	ssyncset.done $0x0  }
0xa0: {  	[sflag:s22] =	ssyncadd.s32 s4;
	_ =	sdelay $0x1  }
0xa1: {  	s23 =	simm.s32 $0x1B8B  }
0xa2: {  	_ =	swait.ge [sflag:s23], $0x1  }
0xa3: {  	[sflag:s23] =	ssyncset.done $0x0  }
0xa4: {  	s25 =	simm.s32 $0x1B8E;
	s24 =	sld [smem:$0x3FFE];
	[sflag:s23] =	ssyncadd.s32 $0xFFFFFFFF  }
0xa5: {  	s26 =	simm.s32 $execute0_lowered;
	[smem:$0x3FD2] =	sst s25  }
0xa6: {  	s5 =	sshll.u32 s26, $0x1;
	_ =	strace $0x80000046;
	[dreg:$0x1] =	wrdreg $0xFFFFFFFF  }
0xa7: {  	s28 =	simm.s32 $_size_execute0_lowered;
	s3 =	sadd.s32 s3, s5;
	[dreg:$0x0] =	wrdreg $0x0  }
0xa8: {  	s5 =	sshll.u32 s28, $0x1;
	[dreg:$0x2] =	wrdreg s3  }
0xa9: {  	[dreg:$0x3] =	wrdreg s5  }
0xaa: {  	[dreg:$0x4] =	wrdreg $0xC0  }
0xab: {  	_ =	task [dreg:s7], $0x5FFFF  }
0xac: {  	[dreg:$0x1] =	wrdreg $0xFFFFFFFF  }
0xad: {  	[dreg:$0x0] =	wrdreg $0x60  }
0xae: {  	[dreg:$0x2] =	wrdreg s24  }
0xaf: {  	[dreg:$0x3] =	wrdreg s2  }
0xb0: {  	[dreg:$0x4] =	wrdreg $0x0  }
0xb1: {  	[dreg:$0x5] =	wrdreg $0x9  }
0xb2: {  	_ =	task.clear_ibuf [dreg:s7], $0x6FFFF;
	_ =	strace $0x90000046  }
0xb3: {  	s29 =	simm.s32 $0x9;
	_ =	strace $0x80000048  }
0xb4: {  	_ =	swait.ge [sflag:s29], $0x1  }
0xb5: {  	[sflag:s29] =	ssyncadd.s32 $0xFFFFFFFF  }
0xb6: {  	_ =	strace $0x90000048  }
0xb7: {  	_ =	sfence  }
0xb8: {  	s30 =	sld [smem:$0x0];
	_ =	sdelay $0x2  }
0xb9: {  	s31 =	sshll.u32 s1, $0xD;
	s1 =	sshrl.u32 s1, $0x2  }
0xba: {  	s3 =	sand.u32 $0x4000, s31;
	s1 =	sadd.s32 s1, s30  }
0xbb: {  	s0 =	sor.u32 s3, s0;
	s1 =	sshll.u32 s1, $0x11  }
0xbc: {  	s0 =	sor.u32 s1, s0  }
0xbd: {  	s0 =	sadd.s32 $0x8F2B, s0  }
0xbe: {  	[sflag:s0] =	ssyncadd.remote.s32 $0x1  }
0xbf: {  	_ =	sfence.sel $0xFFFF  }
0xc0: {  	[dreg:$0x0] =	wrdreg $0xFFFFFFFF;
	(pc) =	sbr.abs _section_cstart, $3  }
0xc1: {  	[dreg:$0x1] =	wrdreg $0xFFFFFFFF  }
0xc2: {  	_ =	task.clear_ibuf [dreg:s7], $0x2FFFF;
	_ =	strace $0x9FFFFFFF  }
0xc3: {  	(tm) =	ssettm $0x7FFFFFFF  }
tec
execute0_lowered:
.L_overlay_start_1:
0x0: {  	(tag) =	ssettag $0x1  }
0x1: {  	s0 =	rddreg [dreg:$0x0]  }
0x2: {  	s3 =	rddreg [dreg:$0x1]  }
0x3: {  	s1 =	rddreg [dreg:$0x2]  }
0x4: {  	s2 =	srdreg.scid;
	s4 =	stileid.u32  }
0x5: {  	s11 =	simm.s32 $0x2B0;
	s12 =	simm.s32 $0x1;
	s13 =	simm.s32 $0x32  }
0x6: {  	s14 =	simm.s32 $0x470;
	s29 =	simm.s32 $0x5BF0;
	s30 =	simm.s32 $0x3  }
0x7: {  	s31 =	simm.s32 $0x2;
	s15 =	simm.s32 $0x390;
	s16 =	simm.s32 $0x3C8  }
0x8: {  	s17 =	simm.s32 $0xA6F0;
	s18 =	simm.s32 $0x400;
	s19 =	simm.s32 $0xB370  }
0x9: {  	s20 =	simm.s32 $0x438;
	s5 =	sand.u32 $0x1, s2;
	s2 =	simm.s32 $0x0  }
0xa: {  	s6 =	sshll.u32 s4, $0xA;
	s21 =	sadd.s32 $0xA00, s0;
	s8 =	smul.u32 $0x1C00, s4  }
0xb: {  	s0 =	sadd.s32 $0x800, s0;
	s25 =	smul.u32 $0x64000, s4;
	p0 =	sne.s32 s4, $0x0  }
0xc: {  	s4 =	simm.s32 $0x8170;
	s7 =	sshll.u32 s5, $0x9;
	s23 =	smul.u32 $0xE00, s5  }
0xd: {  	[smem:$0x7FF] =	sst s2;
	s22 =	ssub.s32 $0x2, s5;
	s5 =	smul.u32 $0x32000, s5  }
0xe: {  	s6 =	sor.u32 s7, s6;
	_ =	strace $0x80000047;
	[dreg:$0x4] =	wrdreg s0  }
0xf: {  	s9 =	sshrl.u32 s22, $0x1;
	s26 =	sadd.s32 s8, s21;
	s28 =	sadd.s32 s25, s3  }
0x10: {  	s3 =	simm.s32 $0x2E8;
	s8 =	simm.s32 $0x8DF0;
	s25 =	simm.s32 $0x0  }
0x11: {  	s6 =	smul.u32 $0x7, s6;
	s0 =	ssub.s32 s22, s9;
	s7 =	sadd.s32 s23, s26  }
0x12: {  	s9 =	simm.s32 $0x358;
	s22 =	simm.s32 $0x4;
	s0 =	smax.u32 s0, $0x1  }
.Ltmp0:
0x13: {  	s10 =	sadd.s32 s21, s6;
	[dreg:$0x7] =	wrdreg s0;
	(pc) =	sbr.rel .LBB2_1-.Ltmp0, $4  }
0x14: {  	s0 =	sadd.s32 s5, s28;
	s5 =	simm.s32 $0x74F0;
	[dreg:$0x5] =	wrdreg s10  }
0x15: {  	s6 =	simm.s32 $0x320;
	s24 =	sadd.s32 $0x38, s10;
	[dreg:$0x8] =	wrdreg s0  }
0x16: {  	s21 =	simm.s32 $0xBFF0;
	s0 =	sshrl.u32 @!p0 s1, $0x3;
	[dreg:$0x6] =	wrdreg s24  }
0x17: {  	s10 =	simm.s32 $0x9A70;
	[dreg:$0x9] =	wrdreg s0;
	s0 =	simm.s32 $0x6870  }
.LBB2_4:
0x18: {  	s23 =	simm.s32 $0x5  }
0x19: {  	_ =	swait.ge [sflag:s23], $0x6400  }
0x1a: {  	[sflag:s23] =	ssyncset.done $0x0  }
0x1b: {  	s24 =	simm.s32 $0x6;
	[sflag:s23] =	ssyncadd.s32 $0xFFFF9C00  }
0x1c: {  	_ =	swait.ge [sflag:s24], $0x6400  }
0x1d: {  	s25 =	rddreg [dreg:$0xa]  }
0x1e: {  	s28 =	rddreg [dreg:$0x7];
	s25 =	sadd.s32 $0x1, s25  }
0x1f: {  	p1 =	sne.s32 s25, s28  }
.Ltmp1:
0x20: {  	_ = 	snop;
	(pc) =	sbr.rel @!p1 .LBB2_5-.Ltmp1, $3  }
0x21: {  	_ =	sdelay $0x1  }
0x22: {  	[sflag:s24] =	ssyncset.done $0x0  }
0x23: {  	[sflag:s24] =	ssyncadd.s32 $0xFFFF9C00  }
.LBB2_1:
0x24: {  	[dreg:$0xa] =	wrdreg s25  }
0x25: {  	s24 =	rddreg [dreg:$0x4]  }
0x26: {  	s23 =	simm.s32 @!p0 $0x1C07;
	s25 =	rddreg [dreg:$0x9]  }
0x27: {  	[spmem:s25], [sflag:s23] =	dma.local @!p0 [hbm:s24], $0x1E0  }
0x28: {  	s23 =	simm.s32 @!p0 $0x7  }
0x29: {  	_ =	swait.ge @!p0 [sflag:s23], $0x1E0  }
0x2a: {  	[sflag:s23] =	ssyncset.done @!p0 $0x0  }
0x2b: {  	[sflag:s23] =	ssyncadd.s32 @!p0 $0xFFFFFE20  }
0x2c: {  	[bflag:$0x0] =	sbarrier.arrive $0xFFFF  }
0x2d: {  	s25 =	rddreg [dreg:$0x5]  }
0x2e: {  	s26 =	simm.s32 $0xF0;
	s28 =	rddreg [dreg:$0x6]  }
0x2f: {  	[tilespmem:s26], [sflag:$0x1] =	stream.linear.gather [hbm4b:s25+s2], $0x1C0, $0x38;
	[tilespmem:$0xCC70] =	vst v63  }
0x30: {  	s24 =	simm.s32 $0x0;
	s23 =	rddreg [dreg:$0x8]  }
0x31: {  	[tilespmem:s11], [sflag:$0x2] =	stream.linear.gather [hbm4b:s28+s2], $0x1C0, $0x38;
	[tilespmem:$0xCC70] =	vst v63  }
.LBB2_2:
0x32: {  	_ =	swait.ge [sflag:s12], $0x1C0  }
0x33: {  	p1 =	seq.s32 s24, $0x0;
	[sflag:s12] =	ssyncset.done $0x0  }
0x34: {  	s25 =	simm.s32 @!p1 $0x5;
	[sflag:s12] =	ssyncadd.s32 $0xFFFFFE40  }
0x35: {  	_ =	swait.ge @!p1 [sflag:s25], $0x6400  }
0x36: {  	[sflag:s25] =	ssyncset.done @!p1 $0x0  }
0x37: {  	s26 =	simm.s32 $0xF0;
	[sflag:s25] =	ssyncadd.s32 @!p1 $0xFFFF9C00  }
0x38: {  	[tilespmem:s14], [sflag:$0x3] =	stream.indirect.gather [spmem:s1], $0x40, s26, s13, $0xb8;
	[tilespmem:$0xCC70] =	vst v63  }
0x39: {  	s28 =	simm.s32 $0x128;
	s26 =	simm.s32 $0x10F0  }
0x3a: {  	[tilespmem:s26], [sflag:$0x3] =	stream.indirect.gather [spmem:s1], $0x40, s28, s13, $0xb8;
	[tilespmem:$0xCC70] =	vst v63  }
0x3b: {  	s26 =	simm.s32 $0x160;
	s28 =	simm.s32 $0x1D70  }
0x3c: {  	[tilespmem:s28], [sflag:$0x3] =	stream.indirect.gather [spmem:s1], $0x40, s26, s13, $0xb8;
	[tilespmem:$0xCC70] =	vst v63  }
0x3d: {  	s26 =	simm.s32 $0x198;
	s28 =	simm.s32 $0x29F0  }
0x3e: {  	[tilespmem:s28], [sflag:$0x3] =	stream.indirect.gather [spmem:s1], $0x40, s26, s13, $0xb8;
	[tilespmem:$0xCC70] =	vst v63  }
0x3f: {  	s26 =	simm.s32 $0x1D0;
	s28 =	simm.s32 $0x3670  }
0x40: {  	[tilespmem:s28], [sflag:$0x3] =	stream.indirect.gather [spmem:s1], $0x40, s26, s13, $0xb8;
	[tilespmem:$0xCC70] =	vst v63  }
0x41: {  	s26 =	simm.s32 $0x208;
	s28 =	simm.s32 $0x42F0  }
0x42: {  	[tilespmem:s28], [sflag:$0x3] =	stream.indirect.gather [spmem:s1], $0x40, s26, s13, $0xb8;
	[tilespmem:$0xCC70] =	vst v63  }
0x43: {  	s26 =	simm.s32 $0x240;
	s28 =	simm.s32 $0x4F70  }
0x44: {  	[tilespmem:s28], [sflag:$0x3] =	stream.indirect.gather [spmem:s1], $0x40, s26, s13, $0xb8;
	[tilespmem:$0xCC70] =	vst v63  }
0x45: {  	s26 =	simm.s32 $0x278  }
0x46: {  	[tilespmem:s29], [sflag:$0x3] =	stream.indirect.gather [spmem:s1], $0x40, s26, s13, $0xb8;
	[tilespmem:$0xCC70] =	vst v63  }
0x47: {  	_ =	swait.ge [sflag:s30], $0xC80  }
0x48: {  	[sflag:s30] =	ssyncset.done $0x0  }
0x49: {  	[sflag:s30] =	ssyncadd.s32 $0xFFFFF380  }
0x4a: {  	_ =	swait.ge [sflag:s30], $0xC80  }
0x4b: {  	[sflag:s30] =	ssyncset.done $0x0  }
0x4c: {  	[sflag:s30] =	ssyncadd.s32 $0xFFFFF380  }
0x4d: {  	_ =	swait.ge [sflag:s30], $0xC80  }
0x4e: {  	[sflag:s30] =	ssyncset.done $0x0  }
0x4f: {  	[sflag:s30] =	ssyncadd.s32 $0xFFFFF380  }
0x50: {  	_ =	swait.ge [sflag:s30], $0xC80  }
0x51: {  	[sflag:s30] =	ssyncset.done $0x0  }
0x52: {  	[sflag:s30] =	ssyncadd.s32 $0xFFFFF380  }
0x53: {  	_ =	swait.ge [sflag:s30], $0xC80  }
0x54: {  	[sflag:s30] =	ssyncset.done $0x0  }
0x55: {  	[sflag:s30] =	ssyncadd.s32 $0xFFFFF380  }
0x56: {  	_ =	swait.ge [sflag:s30], $0xC80  }
0x57: {  	[sflag:s30] =	ssyncset.done $0x0  }
0x58: {  	[sflag:s30] =	ssyncadd.s32 $0xFFFFF380  }
0x59: {  	_ =	swait.ge [sflag:s30], $0xC80  }
0x5a: {  	[sflag:s30] =	ssyncset.done $0x0  }
0x5b: {  	[sflag:s30] =	ssyncadd.s32 $0xFFFFF380  }
0x5c: {  	_ =	swait.ge [sflag:s30], $0xC80  }
0x5d: {  	p2 =	seq.s32 s24, $0xD90;
	[sflag:s30] =	ssyncset.done $0x0  }
0x5e: {  	s25 =	sadd.s32 @!p2 s24, s7;
	[sflag:s30] =	ssyncadd.s32 $0xFFFFF380  }
0x5f: {  	[hbm4b:s23+s2] =	stream.linear.scatter [tilespmem:s14], [sflag:$0x5], $0x6400, $0x38;
	[tilespmem:$0xCC70] =	vst v63  }
0x60: {  	s25 =	sadd.s32 @!p2 $0x70, s25;
	s28 =	simm.s32 @!p2 $0xF0;
	s26 =	simm.s32 @!p2 $0x0  }
0x61: {  	[tilespmem:s28], [sflag:$0x1] =	stream.linear.gather @!p2 [hbm4b:s25+s26], $0x1C0, $0x38;
	[tilespmem:$0xCC70] =	vst v63  }
0x62: {  	_ =	swait.ge [sflag:s31], $0x1C0  }
0x63: {  	[sflag:s31] =	ssyncset.done $0x0  }
0x64: {  	s25 =	simm.s32 @!p1 $0x6;
	[sflag:s31] =	ssyncadd.s32 $0xFFFFFE40  }
0x65: {  	_ =	swait.ge @!p1 [sflag:s25], $0x6400  }
0x66: {  	[sflag:s25] =	ssyncset.done @!p1 $0x0  }
0x67: {  	[sflag:s25] =	ssyncadd.s32 @!p1 $0xFFFF9C00  }
0x68: {  	[tilespmem:s0], [sflag:$0x4] =	stream.indirect.gather [spmem:s1], $0x40, s11, s13, $0xb8;
	[tilespmem:$0xCC70] =	vst v63  }
0x69: {  	_ = 	snop  }
0x6a: {  	[tilespmem:s5], [sflag:$0x4] =	stream.indirect.gather [spmem:s1], $0x40, s3, s13, $0xb8;
	[tilespmem:$0xCC70] =	vst v63  }
0x6b: {  	_ = 	snop  }
0x6c: {  	[tilespmem:s4], [sflag:$0x4] =	stream.indirect.gather [spmem:s1], $0x40, s6, s13, $0xb8;
	[tilespmem:$0xCC70] =	vst v63  }
0x6d: {  	_ = 	snop  }
0x6e: {  	[tilespmem:s8], [sflag:$0x4] =	stream.indirect.gather [spmem:s1], $0x40, s9, s13, $0xb8;
	[tilespmem:$0xCC70] =	vst v63  }
0x6f: {  	_ = 	snop  }
0x70: {  	[tilespmem:s10], [sflag:$0x4] =	stream.indirect.gather [spmem:s1], $0x40, s15, s13, $0xb8;
	[tilespmem:$0xCC70] =	vst v63  }
0x71: {  	_ = 	snop  }
0x72: {  	[tilespmem:s17], [sflag:$0x4] =	stream.indirect.gather [spmem:s1], $0x40, s16, s13, $0xb8;
	[tilespmem:$0xCC70] =	vst v63  }
0x73: {  	_ = 	snop  }
0x74: {  	[tilespmem:s19], [sflag:$0x4] =	stream.indirect.gather [spmem:s1], $0x40, s18, s13, $0xb8;
	[tilespmem:$0xCC70] =	vst v63  }
0x75: {  	_ = 	snop  }
0x76: {  	[tilespmem:s21], [sflag:$0x4] =	stream.indirect.gather [spmem:s1], $0x40, s20, s13, $0xb8;
	[tilespmem:$0xCC70] =	vst v63  }
0x77: {  	_ =	swait.ge [sflag:s22], $0xC80  }
0x78: {  	[sflag:s22] =	ssyncset.done $0x0  }
0x79: {  	[sflag:s22] =	ssyncadd.s32 $0xFFFFF380  }
0x7a: {  	_ =	swait.ge [sflag:s22], $0xC80  }
0x7b: {  	[sflag:s22] =	ssyncset.done $0x0  }
0x7c: {  	[sflag:s22] =	ssyncadd.s32 $0xFFFFF380  }
0x7d: {  	_ =	swait.ge [sflag:s22], $0xC80  }
0x7e: {  	[sflag:s22] =	ssyncset.done $0x0  }
0x7f: {  	[sflag:s22] =	ssyncadd.s32 $0xFFFFF380  }
0x80: {  	_ =	swait.ge [sflag:s22], $0xC80  }
0x81: {  	[sflag:s22] =	ssyncset.done $0x0  }
0x82: {  	[sflag:s22] =	ssyncadd.s32 $0xFFFFF380  }
0x83: {  	_ =	swait.ge [sflag:s22], $0xC80  }
0x84: {  	[sflag:s22] =	ssyncset.done $0x0  }
0x85: {  	[sflag:s22] =	ssyncadd.s32 $0xFFFFF380  }
0x86: {  	_ =	swait.ge [sflag:s22], $0xC80  }
0x87: {  	[sflag:s22] =	ssyncset.done $0x0  }
0x88: {  	[sflag:s22] =	ssyncadd.s32 $0xFFFFF380  }
0x89: {  	_ =	swait.ge [sflag:s22], $0xC80  }
0x8a: {  	[sflag:s22] =	ssyncset.done $0x0  }
.Ltmp2:
0x8b: {  	[sflag:s22] =	ssyncadd.s32 $0xFFFFF380;
	(pc) =	sbr.rel @p2 .LBB2_4-.Ltmp2, $4  }
0x8c: {  	_ =	swait.ge [sflag:s22], $0xC80  }
0x8d: {  	[sflag:s22] =	ssyncset.done $0x0  }
0x8e: {  	s28 =	sadd.s32 $0xC80, s23;
	[sflag:s22] =	ssyncadd.s32 $0xFFFFF380  }
0x8f: {  	[hbm4b:s28+s2] =	stream.linear.scatter [tilespmem:s0], [sflag:$0x6], $0x6400, $0x38;
	[tilespmem:$0xCC70] =	vst v63  }
.Ltmp3:
0x90: {  	(pc) =	sbr.rel .LBB2_2-.Ltmp3, $4  }
0x91: {  	_ = 	snop  }
0x92: {  	s25 =	sadd.s32 s24, s7  }
0x93: {  	s24 =	sadd.s32 $0x70, s24;
	s23 =	sadd.s32 $0x1900, s23;
	s25 =	sadd.s32 $0xA8, s25  }
0x94: {  	[tilespmem:s11], [sflag:$0x2] =	stream.linear.gather [hbm4b:s25+s2], $0x1C0, $0x38;
	[tilespmem:$0xCC70] =	vst v63  }
.LBB2_5:
0x95: {  	_ =	sfence.sel $0x180000  }
0x96: {  	[bflag:$0x0] =	sbarrier.arrive $0xFFFF  }
0x97: {  	_ =	strace $0x90000047  }
0x98: {  	[bflag:$0x2] =	sbarrier.arrive $0xFFFF  }
0x99: {  	s0 =	rddreg [dreg:$0x3]  }
0x9a: {  	s0 =	sadd.s32 @!p0 $0x100000, s0  }
0x9b: {  	[sflag:s0] =	ssyncadd.tile.s32 @!p0 $0x1;
	_ =	shalt  }
.Lfunc_end2:
_tile_overlayer_lowered:
.L_overlay_start_2:
0x9c: {  	(tag) =	ssettag $0x2  }
0x9d: {  	s0 =	rddreg [dreg:$0x0];
	s2 =	stileid.u32  }
0x9e: {  	s1 =	rddreg [dreg:$0x1];
	p0 =	sne.s32 s2, $0x0  }
0x9f: {  	s3 =	rddreg [dreg:$0x2];
	[bflag:$0x3] =	sbarrier.arrive $0xFFFF;
	s2 =	simm.s32 @!p0 $0x1C07  }
0xa0: {  	[timem:s3], [sflag:s2] =	dma.local @!p0 [hbm:s0], s1  }
0xa1: {  	s0 =	simm.s32 @!p0 $0x7  }
0xa2: {  	_ =	swait.ge @!p0 [sflag:s0], s1  }
0xa3: {  	s1 =	ssub.s32 @!p0 $0x0, s1;
	[sflag:s0] =	ssyncset.done @!p0 $0x0  }
0xa4: {  	[sflag:s0] =	ssyncadd.s32 @!p0 s1  }
0xa5: {  	[bflag:$0x3] =	sbarrier.arrive $0xFFFF  }
0xa6: {  	_ =	shalt  }

// kernel: sparse-core-data-format-call.cloned.1.call-start
scs
called_computation_lowered:
.L_overlay_start_0:
0x0: {  	s2 =	sld [smem:$0x3FD9]  }
0x1: {  	s3 =	sld [smem:$0x3FFE];
	_ =	sdelay $0x1  }
0x2: {  	s1 =	srdreg.scid  }
0x3: {  	s0 =	sand.u32 $0x1, s1  }
0x4: {  	s18 =	sshll.u32 s0, $0xA;
	s2 =	sadd.s32 s3, s2  }
0x5: {  	s2 =	sadd.s32 s2, s18  }
0x6: {  	[smem:$0x3FC6] =	sst s2  }
0x7: {  	_ = 	snop  }
0x8: {  	s2 =	sld [smem:$0x3FD0];
	(tm) =	ssettm $0x1  }
0x9: {  	s19 =	sld [smem:$0x3FFB];
	_ =	sdelay $0x3  }
0xa: {  	_ =	strace s19  }
0xb: {  	s3 =	sld [smem:$0x3FFC];
	_ =	sdelay $0x3  }
0xc: {  	_ =	strace s3  }
0xd: {  	s3 =	sld [smem:$0x3FFD];
	_ =	sdelay $0x3  }
0xe: {  	_ =	strace s3  }
0xf: {  	_ =	strace $0x8FFFFFFF  }
0x10: {  	s20 =	sld [smem:$0x3FDB];
	_ =	sdelay $0x1  }
0x11: {  	s4 =	simm.s32 $_scs_section_size  }
0x12: {  	s5 =	simm.s32 $_size__tile_overlayer_lowered;
	s6 =	simm.s32 $_tile_overlayer_lowered  }
0x13: {  	s23 =	simm.s32 $0x1BFF;
	s22 =	sshll.u32 s6, $0x1;
	s3 =	sadd.s32 s4, s20  }
0x14: {  	s7 =	simm.s32 $0x0;
	s21 =	sshll.u32 s5, $0x1;
	s5 =	sadd.s32 s22, s3  }
0x15: {  	[timem:s7], [sflag:s23] =	dma.local [hbm:s5], s21  }
0x16: {  	_ =	swait.ge [sflag:s23], s21  }
0x17: {  	s4 =	ssub.s32 $0x0, s21;
	[sflag:s23] =	ssyncset.done $0x0  }
0x18: {  	[sflag:s23] =	ssyncadd.s32 s4;
	_ =	sdelay $0x1  }
0x19: {  	s24 =	simm.s32 $0x1B8B  }
0x1a: {  	_ =	swait.ge [sflag:s24], $0x1  }
0x1b: {  	[sflag:s24] =	ssyncset.done $0x0  }
0x1c: {  	s26 =	simm.s32 $0x1B8E;
	s25 =	sld [smem:$0x3FFE];
	[sflag:s24] =	ssyncadd.s32 $0xFFFFFFFF  }
0x1d: {  	s27 =	simm.s32 $execute0_lowered;
	[smem:$0x3FD2] =	sst s26  }
0x1e: {  	s5 =	sshll.u32 s27, $0x1;
	_ =	strace $0x80000049;
	[dreg:$0x1] =	wrdreg $0xFFFFFFFF  }
0x1f: {  	s28 =	simm.s32 $_size_execute0_lowered;
	s3 =	sadd.s32 s3, s5;
	[dreg:$0x0] =	wrdreg $0x0  }
0x20: {  	s5 =	sshll.u32 s28, $0x1;
	[dreg:$0x2] =	wrdreg s3  }
0x21: {  	[dreg:$0x3] =	wrdreg s5  }
0x22: {  	[dreg:$0x4] =	wrdreg $0xC0  }
0x23: {  	_ =	task [dreg:s7], $0x5FFFF  }
0x24: {  	[dreg:$0x1] =	wrdreg $0xFFFFFFFF  }
0x25: {  	[dreg:$0x0] =	wrdreg $0x60  }
0x26: {  	[dreg:$0x2] =	wrdreg s25  }
0x27: {  	[dreg:$0x3] =	wrdreg s2  }
0x28: {  	[dreg:$0x4] =	wrdreg $0x9  }
0x29: {  	_ =	task.clear_ibuf [dreg:s7], $0x5FFFF;
	_ =	strace $0x90000049  }
0x2a: {  	s29 =	simm.s32 $0x9;
	_ =	strace $0x8000004B  }
0x2b: {  	_ =	swait.ge [sflag:s29], $0x1  }
0x2c: {  	[sflag:s29] =	ssyncadd.s32 $0xFFFFFFFF  }
0x2d: {  	_ =	strace $0x9000004B  }
0x2e: {  	_ =	sfence  }
0x2f: {  	s30 =	sld [smem:$0x0];
	_ =	sdelay $0x2  }
0x30: {  	s31 =	sshll.u32 s1, $0xD;
	s1 =	sshrl.u32 s1, $0x2  }
0x31: {  	s3 =	sand.u32 $0x4000, s31;
	s1 =	sadd.s32 s1, s30  }
0x32: {  	s0 =	sor.u32 s3, s0;
	s1 =	sshll.u32 s1, $0x11  }
0x33: {  	s0 =	sor.u32 s1, s0  }
0x34: {  	s0 =	sadd.s32 $0x8F2B, s0  }
0x35: {  	[sflag:s0] =	ssyncadd.remote.s32 $0x1  }
0x36: {  	_ =	sfence.sel $0xFFFF  }
0x37: {  	[dreg:$0x0] =	wrdreg $0xFFFFFFFF;
	(pc) =	sbr.abs _section_cstart, $3  }
0x38: {  	[dreg:$0x1] =	wrdreg $0xFFFFFFFF  }
0x39: {  	_ =	task.clear_ibuf [dreg:s7], $0x2FFFF;
	_ =	strace $0x9FFFFFFF  }
0x3a: {  	(tm) =	ssettm $0x7FFFFFFF  }
0x3b: {  	_ =	shalt  }
tec
execute0_lowered:
.L_overlay_start_1:
0x0: {  	(tag) =	ssettag $0x1  }
0x1: {  	s0 =	srdreg.scid  }
0x2: {  	s1 =	sshll.u32 s0, $0x4  }
0x3: {  	s0 =	stileid.u32;
	s1 =	sand.u32 $0x10, s1  }
0x4: {  	s1 =	sor.u32 s0, s1  }
0x5: {  	s6 =	rddreg [dreg:$0x0];
	s4 =	simm.s32 $0x1;
	s2 =	sshll.u32 s1, $0x7  }
0x6: {  	s7 =	simm.s32 $0x2;
	s12 =	simm.s32 $0x0;
	s1 =	ssub.s32 $0x4000, s2  }
0x7: {  	s8 =	simm.s32 $0x20000;
	s13 =	simm.s32 $0x0;
	s3 =	sand.u32 $0xF80, s1  }
0x8: {  	s9 =	simm.s32 $0x0;
	s5 =	sshrl.u32 s1, $0xC;
	p0 =	sne.s32 s3, $0x0  }
.Ltmp0:
0x9: {  	s1 =	rddreg [dreg:$0x2];
	s4 =	simm.s32 @!p0 $0x0;
	(pc) =	sbr.rel .LBB1_1-.Ltmp0, $4  }
0xa: {  	s11 =	simm.s32 $0x0;
	s3 =	rddreg [dreg:$0x1];
	s5 =	sadd.s32 s4, s5  }
0xb: {  	_ =	strace $0x8000004A;
	s4 =	simm.s32 $0x1;
	s5 =	smul.u32 $0x32, s5  }
0xc: {  	s6 =	sadd.s32 $0x800, s6;
	s10 =	smov.u32 s2;
	[sflag:s4] =	ssyncpa.u1 $0x0  }
0xd: {  	p0 =	por $0x0, $0x0;
	[sflag:s7] =	ssyncpa.u1 $0x0;
	s7 =	sor.u32 $0x1, s5  }
.LBB1_4:
0xe: {  	s16 =	sshll.u32 s13, $0x3;
	s17 =	sand.u32 $0x78, s13  }
0xf: {  	s30 =	sand.u32 $0x1F800, s13;
	s12 =	sshll.u32 s12, $0x11;
	s16 =	sand.u32 $0x3C00, s16  }
0x10: {  	[tilespmem:s15+$0x810 ss:$0x81] =	vst.msk $0xffff, v2;
	s31 =	sand.u32 $0x7, s13;
	s16 =	sor.u32 s17, s16;
	s17 =	sadd.s32 s3, s30  }
0x11: {  	[tilespmem:s15+$0x1020 ss:$0x81] =	vst.msk $0xffff, v0;
	s13 =	sshll.u32 s31, $0x12;
	s12 =	sadd.s32 s12, s17;
	s16 =	sshrl.u32 s16, $0x3  }
0x12: {  	[tilespmem:s15+$0x0 ss:$0x81] =	vst.msk $0xffff, v1;
	s13 =	sor.u32 $0x400, s13;
	s12 =	sadd.s32 s16, s12  }
0x13: {  	[hbm4b:s12+s13] =	stream.strided.scatter [tilespmem:s14], [sflag:$0x2], $0x2000, s8, s13, $0x20;
	[tilespmem:$0x8080] =	vst v63  }
.LBB1_5:
0x14: {  	s14 =	sadd.s32 $0x1, s9  }
0x15: {  	s12 =	sadd.s32 $0x1000, s10;
	s16 =	smov.u32 s10;
	p2 =	sgt.s32 s14, $0x31  }
0x16: {  	s16 =	smov.u32 @p2 s12  }
0x17: {  	s14 =	simm.s32 @p2 $0x0;
	p2 =	sgt.s32 s16, $0x3FFF  }
0x18: {  	s16 =	smov.u32 @p2 s2;
	p2 =	sne.s32 s11, s7  }
.Ltmp1:
0x19: {  	p1 =	slt.u32 s11, $0x2;
	(pc) =	sbr.rel @!p2 .LBB1_6-.Ltmp1, $4  }
0x1a: {  	s15 =	simm.s32 @!p1 $0x2  }
0x1b: {  	s13 =	smov.u32 s10;
	p0 =	por !p0, !p0;
	_ =	swait.ge @!p1 [sflag:s15], $0x2000  }
0x1c: {  	s12 =	smov.u32 s9;
	[sflag:s15] =	ssyncset.done @!p1 $0x0;
	s9 =	smov.u32 s14  }
0x1d: {  	s11 =	sadd.s32 $0x1, s11;
	[sflag:s15] =	ssyncadd.s32 @!p1 $0xFFFFE000;
	s10 =	smov.u32 s16  }
.LBB1_1:
0x1e: {  	p1 =	sge.u32 s11, s5  }
0x1f: {  	s14 =	sand.u32 @!p1 $0x1FFFFFF, s9  }
0x20: {  	s15 =	smulhi.u32 @!p1 $0x4924925, s14;
	_ =	sdelay $0x1  }
0x21: {  	s15 =	smul.u32 @!p1 $0x38, s15  }
0x22: {  	s16 =	sxor.u32 @!p1 $0xFFFFFFFF, s11;
	s17 =	smul.u32 @!p1 $0x380, s10  }
0x23: {  	s31 =	sadd.s32 $0xFFFFFFFF, s11;
	s16 =	sshll.u32 @!p1 s16, $0xD;
	s14 =	ssub.s32 @!p1 s14, s15  }
0x24: {  	s15 =	sand.u32 @!p1 $0x2000, s16;
	s16 =	sadd.s32 @!p1 s6, s17;
	s14 =	sshll.u32 @!p1 s14, $0x4  }
0x25: {  	s17 =	simm.s32 @!p1 $0x1C00;
	s14 =	sadd.s32 @!p1 s14, s16;
	s16 =	simm.s32 @!p1 $0x40  }
0x26: {  	[tilespmem:s15], [sflag:$0x1] =	stream.strided.gather @!p1 [hbm4b:s14+s16], $0x2000, s17, s16, $0x38;
	[tilespmem:$0x8080] =	vst v63  }
0x27: {  	p1 =	sge.u32 s31, s5  }
.Ltmp2:
0x28: {  	_ = 	snop;
	(pc) =	sbr.rel @p1 .LBB1_5-.Ltmp2, $1  }
0x29: {  	_ =	sdelay $0x3  }
0x2a: {  	s14 =	simm.s32 $0x1  }
0x2b: {  	_ =	swait.ge [sflag:s4], $0x2000;
	s14 =	simm.s32 @!p0 $0x0  }
0x2c: {  	[sflag:s4] =	ssyncset.done $0x0;
	s15 =	sshll.u32 s14, $0xD  }
0x2d: {  	[sflag:s4] =	ssyncadd.s32 $0xFFFFE000;
	s18 =	sor.u32 $0x20, s15  }
0x2e: {  	s14 =	smul.u32 $0x8100, s14;
	v3 =	vld [tilespmem:s18+$0x10]  }
0x2f: {  	s30 =	sand.u32 $0x1, s11;
	v2 =	vld [tilespmem:s18+$0xFFFFFFF0]  }
0x30: {  	s15 =	smul.u32 $0x8100, s30;
	s14 =	sshrl.u32 s14, $0x2;
	v0 =	vld [tilespmem:s18+$0x0]  }
0x31: {  	v1 =	vld [tilespmem:s18+$0xFFFFFFE0];
	s16 =	sor.u32 $0x4000, s14  }
0x32: {  	s31 =	sshrl.u32 s15, $0x2;
	s15 =	sadd.s32 $0x0, s16  }
0x33: {  	s17 =	simm.s32 $0x4;
	s18 =	sadd.s32 $0x40, s18;
	s14 =	sor.u32 $0x4000, s31;
	[tilespmem:s15+$0x1830 ss:$0x81] =	vst.msk $0xffff, v3  }
.LBB1_3:
0x34: {  	v3 =	vld [tilespmem:s18+$0x10];
	p1 =	sne.s32 s17, $0x1FC;
	[tilespmem:s15+$0x810 ss:$0x81] =	vst.msk $0xffff, v2;
	s19 =	smov.u32 s17;
	s17 =	sadd.s32 $0x4, s17  }
.Ltmp3:
0x35: {  	v2 =	vld [tilespmem:s18+$0xFFFFFFF0];
	[tilespmem:s15+$0x1020 ss:$0x81] =	vst.msk $0xffff, v0;
	(pc) =	sbr.rel @p1 .LBB1_3-.Ltmp3, $4  }
0x36: {  	v0 =	vld [tilespmem:s18+$0x0];
	[tilespmem:s15+$0x0 ss:$0x81] =	vst.msk $0xffff, v1  }
0x37: {  	s15 =	sshra.s32 s19, $0x2;
	v1 =	vld [tilespmem:s18+$0xFFFFFFE0]  }
0x38: {  	s15 =	sadd.s32 s15, s16  }
0x39: {  	s18 =	sadd.s32 $0x40, s18;
	[tilespmem:s15+$0x1830 ss:$0x81] =	vst.msk $0xffff, v3  }
.Ltmp4:
0x3a: {  	_ = 	snop;
	(pc) =	sbr.rel .LBB1_4-.Ltmp4, $1  }
0x3b: {  	_ =	sdelay $0x3  }
.LBB1_6:
0x3c: {  	_ =	sfence.sel $0x180000  }
0x3d: {  	s2 =	simm.s32 $0x1;
	[bflag:$0x0] =	sbarrier.arrive $0xFFFF  }
0x3e: {  	s31 =	simm.s32 $0x2;
	[sflag:s2] =	ssyncpa.u1 $0x1  }
0x3f: {  	[sflag:s31] =	ssyncpa.u1 $0x1  }
0x40: {  	p0 =	sne.s32 s0, $0x0;
	_ =	strace $0x9000004A  }
0x41: {  	s0 =	sadd.s32 @!p0 $0x100000, s1;
	[bflag:$0x2] =	sbarrier.arrive $0xFFFF  }
0x42: {  	[sflag:s0] =	ssyncadd.tile.s32 @!p0 $0x1;
	_ =	shalt  }
.Lfunc_end1:
_tile_overlayer_lowered:
.L_overlay_start_2:
0x43: {  	(tag) =	ssettag $0x2  }
0x44: {  	s0 =	rddreg [dreg:$0x0];
	s2 =	stileid.u32  }
0x45: {  	s1 =	rddreg [dreg:$0x1];
	p0 =	sne.s32 s2, $0x0  }
0x46: {  	s3 =	rddreg [dreg:$0x2];
	[bflag:$0x3] =	sbarrier.arrive $0xFFFF;
	s2 =	simm.s32 @!p0 $0x1C01  }
0x47: {  	[timem:s3], [sflag:s2] =	dma.local @!p0 [hbm:s0], s1  }
0x48: {  	s0 =	simm.s32 @!p0 $0x1  }
0x49: {  	_ =	swait.ge @!p0 [sflag:s0], s1  }
0x4a: {  	s1 =	ssub.s32 @!p0 $0x0, s1;
	[sflag:s0] =	ssyncset.done @!p0 $0x0  }
0x4b: {  	[sflag:s0] =	ssyncadd.s32 @!p0 s1  }
0x4c: {  	[bflag:$0x3] =	sbarrier.arrive $0xFFFF  }
0x4d: {  	_ =	shalt  }

</sc_bundles>
